<compile_context>
chip_gen: v7x
topology: tpu7x:2x2x1
jax: 0.10.2.dev20260603
libtpu: 0.0.44.dev20260713+nightly
codegen_flags: <defaults>
</compile_context>

<pallas_src>
import jax
import jax.numpy as jnp
from jax.experimental import pallas as pl
from jax.experimental.pallas import tpu as pltpu
from jax.experimental.pallas import tpu_sc as plsc

_B, _L = 1024, 32
_V, _D, _LV = 8192, 64, 1000
_BL = _B * _L

_DP = 128
_TOK_WIN = 256
_CTX_WIN = 128

_ROWS = 512
_NBATCH = _ROWS // _L

_SC_MESH = plsc.VectorSubcoreMesh(core_axis_name="c", subcore_axis_name="s")


def _gather_pipeline(table_hbm, idx_hbm, out_hbm, n_rows, win):
    def body(i_vmem, o_vmem):
        pltpu.sync_copy(table_hbm.at[i_vmem.at[0]], o_vmem)

    pltpu.emit_pipeline(
        body,
        grid=(n_rows // win,),
        in_specs=[pl.BlockSpec((1, win), index_map=lambda i: (0, i))],
        out_specs=[pl.BlockSpec((win, _DP), index_map=lambda i: (i, 0))],
        core_axis_name=("c", "s"),
        dimension_semantics=(pltpu.PARALLEL,),
    )(idx_hbm, out_hbm)


def _sc_gather_body(tok_hbm, ids_hbm, lab_hbm, ctx_hbm, otok_hbm, olab_hbm):
    _gather_pipeline(tok_hbm, ids_hbm, otok_hbm, _BL, _TOK_WIN)
    _gather_pipeline(lab_hbm, ctx_hbm, olab_hbm, _B, _CTX_WIN)


def _sc_gather(tok_pad, ids_flat, lab_pad, ctx_flat):
    f = pl.kernel(
        _sc_gather_body,
        out_type=(
            jax.ShapeDtypeStruct((_BL, _DP), jnp.float32),
            jax.ShapeDtypeStruct((_B, _DP), jnp.float32),
        ),
        mesh=_SC_MESH,
    )
    return f(tok_pad, ids_flat, lab_pad, ctx_flat)


def _proj_body(tok_ref, lab_ref, wt_ref, b_ref, o_ref):
    tok = tok_ref[...][:, :_D].reshape(_NBATCH, _L, _D)
    lab = lab_ref[...][:, :_D]
    x = (tok + lab[:, None, :]).reshape(_ROWS, _D).astype(jnp.bfloat16)
    acc = jnp.dot(x, wt_ref[...], preferred_element_type=jnp.float32)
    o_ref[...] = acc + b_ref[...]


def _project(tok_x, lab_x, wt, b2d):
    return pl.pallas_call(
        _proj_body,
        grid=(_BL // _ROWS,),
        in_specs=[
            pl.BlockSpec((_ROWS, _DP), lambda i: (i, 0)),
            pl.BlockSpec((_NBATCH, _DP), lambda i: (i, 0)),
            pl.BlockSpec((_D, _V), lambda i: (0, 0)),
            pl.BlockSpec((1, _V), lambda i: (0, 0)),
        ],
        out_specs=pl.BlockSpec((_ROWS, _V), lambda i: (i, 0)),
        out_shape=jax.ShapeDtypeStruct((_BL, _V), jnp.float32),
        compiler_params=pltpu.CompilerParams(
            dimension_semantics=("arbitrary",),
        ),
    )(tok_x, lab_x, wt, b2d)


def kernel(input_ids, context, token_embed, label_embed, W, b):
    wt = W.astype(jnp.bfloat16).T
    ids_flat = input_ids.reshape(1, _BL).astype(jnp.int32)
    ctx_flat = context.reshape(1, _B).astype(jnp.int32)
    tok_pad = jnp.pad(token_embed, ((0, 0), (0, _DP - _D)))
    lab_pad = jnp.pad(label_embed, ((0, 0), (0, _DP - _D)))
    tok_x, lab_x = _sc_gather(tok_pad, ids_flat, lab_pad, ctx_flat)
    logits = _project(tok_x, lab_x, wt, b.reshape(1, _V))
    return logits.reshape(_B, _L, _V)

# --- scband reference (transcript-rebuilt; emitter-appended) ---
"""Pipeline reference for scband-tiny-image-model-33586644255197 (READ-ONLY COPY).

The authoritative reference and input builder live on the scoring server;
editing this copy changes nothing except your own understanding.
"""

import jax, jax.numpy as jnp
import numpy as np

B, L = 1024, 32
V, D, LV = 8192, 64, 1000


def setup_inputs(seed: int = 0) -> dict:
    key = jax.random.key(seed)
    k1, k2, k3, k4, k5 = jax.random.split(key, 5)
    input_ids = jax.random.randint(k1, (B, L), 0, V)
    context = jax.random.randint(k2, (B,), 0, LV)
    token_embed = jax.random.normal(k3, (V, D), dtype=jnp.float32) * 0.02
    label_embed = jax.random.normal(k4, (LV, D), dtype=jnp.float32) * 0.02
    W = jax.random.normal(k5, (V, D), dtype=jnp.float32) * 0.02  # torch Linear weight [out, in]
    b = jnp.zeros((V,), dtype=jnp.float32)
    return {"input_ids": input_ids, "context": context, "token_embed": token_embed, "label_embed": label_embed, "W": W, "b": b}


def reference(input_ids, context, token_embed, label_embed, W, b):
    # x = token_embed(input_ids)
    x = jnp.take(token_embed, input_ids, axis=0)            # [B, L, D]
    # x = x + label_embed(context).unsqueeze(1)
    x = x + jnp.take(label_embed, context, axis=0)[:, None, :]
    # proj: Linear(d_model -> vocab_size)
    logits = jnp.einsum('bld,vd->blv', x, W) + b            # [B, L, V]
    return logits

if __name__ == "__main__":
    import jax
    _d = setup_inputs()
    print(jax.jit(kernel)(*tuple(_d.values())))

</pallas_src>

<mosaic_0001>
#map = affine_map<(d0, d1) -> (0, 0)>
module attributes {stable_mosaic.version = 14 : i64} {
  func.func @_sc_gather_body(%arg0: i32, %arg1: i32, %arg2: memref<8192x128xf32, #tpu.memory_space<hbm>>, %arg3: memref<1x32768xi32, #tpu.memory_space<hbm>>, %arg4: memref<1000x128xf32, #tpu.memory_space<hbm>>, %arg5: memref<1x1024xi32, #tpu.memory_space<hbm>>, %arg6: memref<32768x128xf32, #tpu.memory_space<hbm>>, %arg7: memref<1024x128xf32, #tpu.memory_space<hbm>>) attributes {dimension_semantics = [#tpu.dimension_semantics<core_parallel>, #tpu.dimension_semantics<subcore_parallel>], iteration_bounds = array<i64: 2, 16>, scalar_prefetch = 0 : i64, scratch_operands = 0 : i64, tpu.core_type = #tpu.core_type<sc_vector_subcore>, window_params = [{transform_indices = #map}, {transform_indices = #map}, {transform_indices = #map}, {transform_indices = #map}, {transform_indices = #map}, {transform_indices = #map}]} {
    %mul3A = arith.constant 1 : i32
    %mul3A_0 = arith.muli %arg1, %mul3A : i32
    %add3A = arith.constant 0 : i32
    %add3A_1 = arith.addi %add3A, %mul3A_0 : i32
    %mul3A_2 = arith.constant 16 : i32
    %mul3A_3 = arith.muli %arg0, %mul3A_2 : i32
    %add3A_4 = arith.addi %add3A_1, %mul3A_3 : i32
    %mul3A_5 = arith.constant 4 : i32
    %mul3A_6 = arith.muli %add3A_4, %mul3A_5 : i32
    "tpu.region"() ({
      %run_scoped3A = memref.alloca() : memref<2x1x256xi32, #tpu.memory_space<vmem>>
      %run_scoped3A_26 = tpu.sem_alloc : memref<2x!tpu.dma_semaphore, #tpu.memory_space<semaphore_mem>>
      %run_scoped3A_27 = memref.alloca() : memref<2x256x128xf32, #tpu.memory_space<vmem>>
      %run_scoped3A_28 = tpu.sem_alloc : memref<2x!tpu.dma_semaphore, #tpu.memory_space<semaphore_mem>>
      %add3A_29 = arith.constant 0 : i32
      %add3A_30 = arith.addi %add3A_29, %mul3A_6 : i32
      %select_n3A_31 = arith.constant true
      %select_n3A_32 = arith.constant 0 : i32
      %select_n3A_33 = arith.constant -1 : i32
      %select_n3A_34 = arith.select %select_n3A_31, %select_n3A_33, %select_n3A_32 : i32
      %eq3A = arith.constant -1 : i32
      %eq3A_35 = arith.cmpi eq, %select_n3A_34, %eq3A : i32
      %select_n3A_36 = arith.constant 3 : i32
      %select_n3A_37 = arith.select %eq3A_35, %select_n3A_36, %select_n3A_34 : i32
      %add3A_38 = arith.addi %select_n3A_37, %mul3A_6 : i32
      %select_n3A_39 = arith.constant true
      %select_n3A_40 = arith.constant 0 : i32
      %select_n3A_41 = arith.constant 1 : i32
      %select_n3A_42 = arith.select %select_n3A_39, %select_n3A_41, %select_n3A_40 : i32
      %eq3A_43 = arith.constant 4 : i32
      %eq3A_44 = arith.cmpi eq, %select_n3A_42, %eq3A_43 : i32
      %select_n3A_45 = arith.constant 0 : i32
      %select_n3A_46 = arith.select %eq3A_44, %select_n3A_45, %select_n3A_42 : i32
      %add3A_47 = arith.addi %select_n3A_46, %mul3A_6 : i32
      %add3A_48 = arith.constant 1 : i32
      %add3A_49 = arith.addi %select_n3A_46, %add3A_48 : i32
      %select_n3A_50 = arith.constant true
      %select_n3A_51 = arith.select %select_n3A_50, %add3A_49, %select_n3A_46 : i32
      %eq3A_52 = arith.constant 4 : i32
      %eq3A_53 = arith.cmpi eq, %select_n3A_51, %eq3A_52 : i32
      %select_n3A_54 = arith.constant 0 : i32
      %select_n3A_55 = arith.select %eq3A_53, %select_n3A_54, %select_n3A_51 : i32
      %add3A_56 = arith.addi %select_n3A_55, %mul3A_6 : i32
      "tpu.trace_start"() <{level = 10 : i32, message = "ep_initialize_0"}> : () -> ()
      %rem3A = arith.constant 0 : i32
      %rem3A_57 = arith.constant 2 : i32
      %rem3A_58 = arith.remui %rem3A, %rem3A_57 : i32
      %mul3A_59 = arith.constant 256 : i32
      %mul3A_60 = arith.muli %mul3A_59, %add3A_30 : i32
      %dma_start3A = arith.constant 0 : i32
      %dma_start3A_61 = arith.constant 0 : i32
      %dma_start3A_62 = tpu.memref_slice %run_scoped3A[%rem3A_58, %dma_start3A, %dma_start3A_61] : memref<2x1x256xi32, #tpu.memory_space<vmem>> -> memref<1x1x256xi32, #tpu.memory_space<vmem>>
      %dma_start3A_63 = tpu.memref_squeeze %dma_start3A_62 : memref<1x1x256xi32, #tpu.memory_space<vmem>> -> memref<1x256xi32, #tpu.memory_space<vmem>>
      %dma_start3A_64 = arith.constant 0 : i32
      %dma_start3A_65 = tpu.memref_slice %arg3[%dma_start3A_64, %mul3A_60] : memref<1x32768xi32, #tpu.memory_space<hbm>> -> memref<1x256xi32, #tpu.memory_space<hbm>>
      %dma_start3A_66 = tpu.memref_slice %run_scoped3A_26[%rem3A_58] : memref<2x!tpu.dma_semaphore, #tpu.memory_space<semaphore_mem>> -> memref<1x!tpu.dma_semaphore, #tpu.memory_space<semaphore_mem>>
      %dma_start3A_67 = tpu.memref_squeeze %dma_start3A_66 : memref<1x!tpu.dma_semaphore, #tpu.memory_space<semaphore_mem>> -> memref<!tpu.dma_semaphore, #tpu.memory_space<semaphore_mem>>
      %dma_start3A_68 = arith.constant 0 : i32
      %dma_start3A_69 = arith.constant 0 : i32
      %dma_start3A_70 = tpu.memref_slice %run_scoped3A[%rem3A_58, %dma_start3A_68, %dma_start3A_69] : memref<2x1x256xi32, #tpu.memory_space<vmem>> -> memref<1x1x256xi32, #tpu.memory_space<vmem>>
      %dma_start3A_71 = tpu.memref_squeeze %dma_start3A_70 : memref<1x1x256xi32, #tpu.memory_space<vmem>> -> memref<1x256xi32, #tpu.memory_space<vmem>>
      %dma_start3A_72 = arith.constant 0 : i32
      %dma_start3A_73 = tpu.memref_slice %arg3[%dma_start3A_72, %mul3A_60] : memref<1x32768xi32, #tpu.memory_space<hbm>> -> memref<1x256xi32, #tpu.memory_space<hbm>>
      tpu.enqueue_dma source(%dma_start3A_73 : memref<1x256xi32, #tpu.memory_space<hbm>>) target(%dma_start3A_71 : memref<1x256xi32, #tpu.memory_space<vmem>>) target_semaphore(%dma_start3A_67 : memref<!tpu.dma_semaphore, #tpu.memory_space<semaphore_mem>>)
      %add3A_74 = arith.constant 0 : i32
      %add3A_75 = arith.constant 1 : i32
      %add3A_76 = arith.addi %add3A_74, %add3A_75 : i32
      %select_n3A_77 = arith.constant true
      %select_n3A_78 = arith.constant 0 : i32
      %select_n3A_79 = arith.select %select_n3A_77, %add3A_76, %select_n3A_78 : i32
      "tpu.trace_stop"() : () -> ()
      %scan3A = arith.constant 0 : i32
      %scan3A_80 = arith.constant 0 : i32
      %scan3A_81 = arith.constant 0 : i32
      %scan3A_82 = arith.constant 0 : i32
      %scan3A_83 = arith.constant 0 : i32
      %scan3A_84 = arith.constant 4 : i32
      %scan3A_85 = arith.addi %scan3A_83, %scan3A_84 : i32
      %scan3A_86 = arith.constant 1 : i32
      %scan3A_87:5 = scf.for %scan3A_141 = %scan3A_83 to %scan3A_85 step %scan3A_86 iter_args(%scan3A_142 = %select_n3A_79, %scan3A_143 = %scan3A, %scan3A_144 = %scan3A_80, %scan3A_145 = %scan3A_81, %scan3A_146 = %scan3A_82) -> (i32, i32, i32, i32, i32)  : i32 {
        %eq3A_147 = arith.constant 0 : i32
        %eq3A_148 = arith.cmpi eq, %scan3A_141, %eq3A_147 : i32
        %eq3A_149 = arith.constant 3 : i32
        %eq3A_150 = arith.cmpi eq, %scan3A_141, %eq3A_149 : i32
        %add3A_151 = arith.addi %scan3A_146, %mul3A_6 : i32
        %sub3A_152 = arith.constant 1 : i32
        %sub3A_153 = arith.subi %scan3A_146, %sub3A_152 : i32
        %select_n3A_154 = arith.constant true
        %select_n3A_155 = arith.select %select_n3A_154, %sub3A_153, %scan3A_146 : i32
        %eq3A_156 = arith.constant -1 : i32
        %eq3A_157 = arith.cmpi eq, %select_n3A_155, %eq3A_156 : i32
        %select_n3A_158 = arith.constant 3 : i32
        %select_n3A_159 = arith.select %eq3A_157, %select_n3A_158, %select_n3A_155 : i32
        %add3A_160 = arith.addi %select_n3A_159, %mul3A_6 : i32
        %add3A_161 = arith.constant 1 : i32
        %add3A_162 = arith.addi %scan3A_146, %add3A_161 : i32
        %select_n3A_163 = arith.constant true
        %select_n3A_164 = arith.select %select_n3A_163, %add3A_162, %scan3A_146 : i32
        %eq3A_165 = arith.constant 4 : i32
        %eq3A_166 = arith.cmpi eq, %select_n3A_164, %eq3A_165 : i32
        %select_n3A_167 = arith.constant 0 : i32
        %select_n3A_168 = arith.select %eq3A_166, %select_n3A_167, %select_n3A_164 : i32
        %add3A_169 = arith.addi %select_n3A_168, %mul3A_6 : i32
        %add3A_170 = arith.constant 1 : i32
        %add3A_171 = arith.addi %select_n3A_168, %add3A_170 : i32
        %select_n3A_172 = arith.constant true
        %select_n3A_173 = arith.select %select_n3A_172, %add3A_171, %select_n3A_168 : i32
        %eq3A_174 = arith.constant 4 : i32
        %eq3A_175 = arith.cmpi eq, %select_n3A_173, %eq3A_174 : i32
        %select_n3A_176 = arith.constant 0 : i32
        %select_n3A_177 = arith.select %eq3A_175, %select_n3A_176, %select_n3A_173 : i32
        %add3A_178 = arith.addi %select_n3A_177, %mul3A_6 : i32
        %ne3A = arith.cmpi ne, %add3A_151, %add3A_169 : i32
        %or3A = arith.constant false
        %or3A_179 = arith.ori %or3A, %ne3A : i1
        %ge3A = arith.constant 3 : i32
        %ge3A_180 = arith.cmpi sge, %scan3A_141, %ge3A : i32
        %not3A = arith.constant true
        %not3A_181 = arith.xori %ge3A_180, %not3A : i1
        %and3A = arith.andi %or3A_179, %not3A_181 : i1
        %convert_element_type3A = arith.extui %and3A : i1 to i32
        %cond3A = arith.constant 0 : i32
        %cond3A_182 = arith.cmpi ne, %convert_element_type3A, %cond3A : i32
        scf.if %cond3A_182 {
          "tpu.trace_start"() <{level = 10 : i32, message = "ep_copy_in"}> : () -> ()
          %rem3A_284 = arith.constant 2 : i32
          %rem3A_285 = arith.remui %scan3A_142, %rem3A_284 : i32
          %mul3A_286 = arith.constant 256 : i32
          %mul3A_287 = arith.muli %mul3A_286, %add3A_169 : i32
          %dma_start3A_288 = arith.constant 0 : i32
          %dma_start3A_289 = arith.constant 0 : i32
          %dma_start3A_290 = tpu.memref_slice %run_scoped3A[%rem3A_285, %dma_start3A_288, %dma_start3A_289] : memref<2x1x256xi32, #tpu.memory_space<vmem>> -> memref<1x1x256xi32, #tpu.memory_space<vmem>>
          %dma_start3A_291 = tpu.memref_squeeze %dma_start3A_290 : memref<1x1x256xi32, #tpu.memory_space<vmem>> -> memref<1x256xi32, #tpu.memory_space<vmem>>
          %dma_start3A_292 = arith.constant 0 : i32
          %dma_start3A_293 = tpu.memref_slice %arg3[%dma_start3A_292, %mul3A_287] : memref<1x32768xi32, #tpu.memory_space<hbm>> -> memref<1x256xi32, #tpu.memory_space<hbm>>
          %dma_start3A_294 = tpu.memref_slice %run_scoped3A_26[%rem3A_285] : memref<2x!tpu.dma_semaphore, #tpu.memory_space<semaphore_mem>> -> memref<1x!tpu.dma_semaphore, #tpu.memory_space<semaphore_mem>>
          %dma_start3A_295 = tpu.memref_squeeze %dma_start3A_294 : memref<1x!tpu.dma_semaphore, #tpu.memory_space<semaphore_mem>> -> memref<!tpu.dma_semaphore, #tpu.memory_space<semaphore_mem>>
          %dma_start3A_296 = arith.constant 0 : i32
          %dma_start3A_297 = arith.constant 0 : i32
          %dma_start3A_298 = tpu.memref_slice %run_scoped3A[%rem3A_285, %dma_start3A_296, %dma_start3A_297] : memref<2x1x256xi32, #tpu.memory_space<vmem>> -> memref<1x1x256xi32, #tpu.memory_space<vmem>>
          %dma_start3A_299 = tpu.memref_squeeze %dma_start3A_298 : memref<1x1x256xi32, #tpu.memory_space<vmem>> -> memref<1x256xi32, #tpu.memory_space<vmem>>
          %dma_start3A_300 = arith.constant 0 : i32
          %dma_start3A_301 = tpu.memref_slice %arg3[%dma_start3A_300, %mul3A_287] : memref<1x32768xi32, #tpu.memory_space<hbm>> -> memref<1x256xi32, #tpu.memory_space<hbm>>
          tpu.enqueue_dma source(%dma_start3A_301 : memref<1x256xi32, #tpu.memory_space<hbm>>) target(%dma_start3A_299 : memref<1x256xi32, #tpu.memory_space<vmem>>) target_semaphore(%dma_start3A_295 : memref<!tpu.dma_semaphore, #tpu.memory_space<semaphore_mem>>)
          "tpu.trace_stop"() : () -> ()
        } else {
        }
        %and3A_183 = arith.constant true
        %and3A_184 = arith.andi %and3A, %and3A_183 : i1
        %add3A_185 = arith.constant 1 : i32
        %add3A_186 = arith.addi %scan3A_142, %add3A_185 : i32
        %select_n3A_187 = arith.select %and3A_184, %add3A_186, %scan3A_142 : i32
        %ne3A_188 = arith.cmpi ne, %add3A_151, %add3A_169 : i32
        %or3A_189 = arith.constant false
        %or3A_190 = arith.ori %or3A_189, %ne3A_188 : i1
        %or3A_191 = arith.constant false
        %or3A_192 = arith.ori %or3A_190, %or3A_191 : i1
        %ge3A_193 = arith.constant 3 : i32
        %ge3A_194 = arith.cmpi sge, %scan3A_141, %ge3A_193 : i32
        %not3A_195 = arith.constant true
        %not3A_196 = arith.xori %ge3A_194, %not3A_195 : i1
        %and3A_197 = arith.andi %or3A_192, %not3A_196 : i1
        %ne3A_198 = arith.cmpi ne, %add3A_151, %add3A_160 : i32
        %or3A_199 = arith.constant false
        %or3A_200 = arith.ori %or3A_199, %ne3A_198 : i1
        %or3A_201 = arith.ori %or3A_200, %eq3A_148 : i1
        %convert_element_type3A_202 = arith.extui %or3A_201 : i1 to i32
        %cond3A_203 = arith.constant 0 : i32
        %cond3A_204 = arith.cmpi ne, %convert_element_type3A_202, %cond3A_203 : i32
        scf.if %cond3A_204 {
          "tpu.trace_start"() <{level = 10 : i32, message = "ep_wait_in"}> : () -> ()
          %mul3A_284 = arith.constant 256 : i32
          %mul3A_285 = arith.muli %mul3A_284, %add3A_151 : i32
          %rem3A_286 = arith.constant 2 : i32
          %rem3A_287 = arith.remui %scan3A_143, %rem3A_286 : i32
          %dma_wait3A_288 = arith.constant 0 : i32
          %dma_wait3A_289 = arith.constant 0 : i32
          %dma_wait3A_290 = tpu.memref_slice %run_scoped3A[%rem3A_287, %dma_wait3A_288, %dma_wait3A_289] : memref<2x1x256xi32, #tpu.memory_space<vmem>> -> memref<1x1x256xi32, #tpu.memory_space<vmem>>
          %dma_wait3A_291 = tpu.memref_squeeze %dma_wait3A_290 : memref<1x1x256xi32, #tpu.memory_space<vmem>> -> memref<1x256xi32, #tpu.memory_space<vmem>>
          %dma_wait3A_292 = arith.constant 0 : i32
          %dma_wait3A_293 = tpu.memref_slice %arg3[%dma_wait3A_292, %mul3A_285] : memref<1x32768xi32, #tpu.memory_space<hbm>> -> memref<1x256xi32, #tpu.memory_space<hbm>>
          %dma_wait3A_294 = tpu.memref_slice %run_scoped3A_26[%rem3A_287] : memref<2x!tpu.dma_semaphore, #tpu.memory_space<semaphore_mem>> -> memref<1x!tpu.dma_semaphore, #tpu.memory_space<semaphore_mem>>
          %dma_wait3A_295 = tpu.memref_squeeze %dma_wait3A_294 : memref<1x!tpu.dma_semaphore, #tpu.memory_space<semaphore_mem>> -> memref<!tpu.dma_semaphore, #tpu.memory_space<semaphore_mem>>
          %dma_wait3A_296 = arith.constant 0 : i32
          %dma_wait3A_297 = arith.constant 0 : i32
          %dma_wait3A_298 = tpu.memref_slice %run_scoped3A[%rem3A_287, %dma_wait3A_296, %dma_wait3A_297] : memref<2x1x256xi32, #tpu.memory_space<vmem>> -> memref<1x1x256xi32, #tpu.memory_space<vmem>>
          %dma_wait3A_299 = tpu.memref_squeeze %dma_wait3A_298 : memref<1x1x256xi32, #tpu.memory_space<vmem>> -> memref<1x256xi32, #tpu.memory_space<vmem>>
          %dma_wait3A_300 = arith.constant 0 : i32
          %dma_wait3A_301 = tpu.memref_slice %arg3[%dma_wait3A_300, %mul3A_285] : memref<1x32768xi32, #tpu.memory_space<hbm>> -> memref<1x256xi32, #tpu.memory_space<hbm>>
          tpu.wait_dma2 semaphore(%dma_wait3A_295 : memref<!tpu.dma_semaphore, #tpu.memory_space<semaphore_mem>>) src(%dma_wait3A_301 : memref<1x256xi32, #tpu.memory_space<hbm>>) dst(%dma_wait3A_299 : memref<1x256xi32, #tpu.memory_space<vmem>>)
          "tpu.trace_stop"() : () -> ()
        } else {
        }
        %ne3A_205 = arith.cmpi ne, %add3A_151, %add3A_160 : i32
        %or3A_206 = arith.constant false
        %or3A_207 = arith.ori %or3A_206, %ne3A_205 : i1
        %or3A_208 = arith.constant false
        %or3A_209 = arith.ori %or3A_207, %or3A_208 : i1
        %or3A_210 = arith.ori %or3A_209, %eq3A_148 : i1
        %convert_element_type3A_211 = arith.extui %or3A_210 : i1 to i32
        %cond3A_212 = arith.constant 0 : i32
        %cond3A_213 = arith.cmpi ne, %convert_element_type3A_211, %cond3A_212 : i32
        scf.if %cond3A_213 {
        } else {
        }
        %rem3A_214 = arith.constant 2 : i32
        %rem3A_215 = arith.remui %scan3A_143, %rem3A_214 : i32
        %rem3A_216 = arith.constant 2 : i32
        %rem3A_217 = arith.remui %scan3A_144, %rem3A_216 : i32
        %run_scoped3A_218 = arith.constant 0 : i32
        "tpu.trace_start"() <{level = 10 : i32, message = "ep_run_kernel"}> : () -> ()
        "tpu.region"() ({
          %run_scoped3A_284 = tpu.sem_alloc : memref<!tpu.dma_semaphore, #tpu.memory_space<semaphore_mem>>
          %dma_start3A_285 = arith.constant 0 : i32
          %dma_start3A_286 = arith.constant 0 : i32
          %dma_start3A_287 = tpu.memref_slice %run_scoped3A_27[%rem3A_217, %dma_start3A_285, %dma_start3A_286] : memref<2x256x128xf32, #tpu.memory_space<vmem>> -> memref<1x256x128xf32, #tpu.memory_space<vmem>>
          %dma_start3A_288 = tpu.memref_squeeze %dma_start3A_287 : memref<1x256x128xf32, #tpu.memory_space<vmem>> -> memref<256x128xf32, #tpu.memory_space<vmem>>
          %dma_start3A_289 = arith.constant 0 : i32
          %dma_start3A_290 = arith.constant 0 : i32
          %dma_start3A_291 = tpu.memref_slice %run_scoped3A[%rem3A_215, %dma_start3A_289, %dma_start3A_290] : memref<2x1x256xi32, #tpu.memory_space<vmem>> -> memref<1x1x256xi32, #tpu.memory_space<vmem>>
          %dma_start3A_292 = tpu.memref_squeeze %dma_start3A_291 : memref<1x1x256xi32, #tpu.memory_space<vmem>> -> memref<1x256xi32, #tpu.memory_space<vmem>>
          %dma_start3A_293 = arith.constant 0 : i32
          %dma_start3A_294 = tpu.memref_slice %dma_start3A_292[%run_scoped3A_218, %dma_start3A_293] : memref<1x256xi32, #tpu.memory_space<vmem>> -> memref<1x256xi32, #tpu.memory_space<vmem>>
          %dma_start3A_295 = tpu.memref_squeeze %dma_start3A_294 : memref<1x256xi32, #tpu.memory_space<vmem>> -> memref<256xi32, #tpu.memory_space<vmem>>
          %dma_start3A_296 = arith.constant 0 : i32
          %dma_start3A_297 = arith.constant 0 : i32
          %dma_start3A_298 = tpu.memref_slice %arg2[%dma_start3A_296, %dma_start3A_297] : memref<8192x128xf32, #tpu.memory_space<hbm>> -> memref<8192x128xf32, #tpu.memory_space<hbm>>
          tpu.enqueue_indirect_dma source(%dma_start3A_298 : memref<8192x128xf32, #tpu.memory_space<hbm>>) target(%dma_start3A_288 : memref<256x128xf32, #tpu.memory_space<vmem>>) offsets(%dma_start3A_295 : memref<256xi32, #tpu.memory_space<vmem>>) semaphore(%run_scoped3A_284 : memref<!tpu.dma_semaphore, #tpu.memory_space<semaphore_mem>>)
          %dma_wait3A_299 = arith.constant 0 : i32
          %dma_wait3A_300 = arith.constant 0 : i32
          %dma_wait3A_301 = tpu.memref_slice %run_scoped3A_27[%rem3A_217, %dma_wait3A_299, %dma_wait3A_300] : memref<2x256x128xf32, #tpu.memory_space<vmem>> -> memref<1x256x128xf32, #tpu.memory_space<vmem>>
          %dma_wait3A_302 = tpu.memref_squeeze %dma_wait3A_301 : memref<1x256x128xf32, #tpu.memory_space<vmem>> -> memref<256x128xf32, #tpu.memory_space<vmem>>
          %dma_wait3A_303 = arith.constant 0 : i32
          %dma_wait3A_304 = arith.constant 0 : i32
          %dma_wait3A_305 = tpu.memref_slice %run_scoped3A[%rem3A_215, %dma_wait3A_303, %dma_wait3A_304] : memref<2x1x256xi32, #tpu.memory_space<vmem>> -> memref<1x1x256xi32, #tpu.memory_space<vmem>>
          %dma_wait3A_306 = tpu.memref_squeeze %dma_wait3A_305 : memref<1x1x256xi32, #tpu.memory_space<vmem>> -> memref<1x256xi32, #tpu.memory_space<vmem>>
          %dma_wait3A_307 = arith.constant 0 : i32
          %dma_wait3A_308 = tpu.memref_slice %dma_wait3A_306[%run_scoped3A_218, %dma_wait3A_307] : memref<1x256xi32, #tpu.memory_space<vmem>> -> memref<1x256xi32, #tpu.memory_space<vmem>>
          %dma_wait3A_309 = tpu.memref_squeeze %dma_wait3A_308 : memref<1x256xi32, #tpu.memory_space<vmem>> -> memref<256xi32, #tpu.memory_space<vmem>>
          %dma_wait3A_310 = arith.constant 0 : i32
          %dma_wait3A_311 = arith.constant 0 : i32
          %dma_wait3A_312 = tpu.memref_slice %arg2[%dma_wait3A_310, %dma_wait3A_311] : memref<8192x128xf32, #tpu.memory_space<hbm>> -> memref<8192x128xf32, #tpu.memory_space<hbm>>
          tpu.wait_indirect_dma semaphore(%run_scoped3A_284 : memref<!tpu.dma_semaphore, #tpu.memory_space<semaphore_mem>>) src(%dma_wait3A_312 : memref<8192x128xf32, #tpu.memory_space<hbm>>) dst(%dma_wait3A_302 : memref<256x128xf32, #tpu.memory_space<vmem>>)
          tpu.yield
        }) : () -> ()
        "tpu.trace_stop"() : () -> ()
        %ne3A_219 = arith.cmpi ne, %add3A_151, %add3A_169 : i32
        %or3A_220 = arith.constant false
        %or3A_221 = arith.ori %or3A_220, %ne3A_219 : i1
        %or3A_222 = arith.ori %or3A_221, %eq3A_150 : i1
        %convert_element_type3A_223 = arith.extui %or3A_222 : i1 to i32
        %cond3A_224 = arith.constant 0 : i32
        %cond3A_225 = arith.cmpi ne, %convert_element_type3A_223, %cond3A_224 : i32
        scf.if %cond3A_225 {
        } else {
        }
        %and3A_226 = arith.constant false
        %and3A_227 = arith.andi %or3A_222, %and3A_226 : i1
        %ne3A_228 = arith.cmpi ne, %add3A_151, %add3A_169 : i32
        %or3A_229 = arith.constant false
        %or3A_230 = arith.ori %or3A_229, %ne3A_228 : i1
        %or3A_231 = arith.constant false
        %or3A_232 = arith.ori %or3A_230, %or3A_231 : i1
        %or3A_233 = arith.ori %or3A_232, %eq3A_150 : i1
        %convert_element_type3A_234 = arith.extui %or3A_233 : i1 to i32
        %cond3A_235 = arith.constant 0 : i32
        %cond3A_236 = arith.cmpi ne, %convert_element_type3A_234, %cond3A_235 : i32
        scf.if %cond3A_236 {
          "tpu.trace_start"() <{level = 10 : i32, message = "ep_copy_out"}> : () -> ()
          %rem3A_284 = arith.constant 2 : i32
          %rem3A_285 = arith.remui %scan3A_144, %rem3A_284 : i32
          %mul3A_286 = arith.constant 256 : i32
          %mul3A_287 = arith.muli %mul3A_286, %add3A_151 : i32
          %dma_start3A_288 = arith.constant 0 : i32
          %dma_start3A_289 = arith.constant 0 : i32
          %dma_start3A_290 = tpu.memref_slice %run_scoped3A_27[%rem3A_285, %dma_start3A_288, %dma_start3A_289] : memref<2x256x128xf32, #tpu.memory_space<vmem>> -> memref<1x256x128xf32, #tpu.memory_space<vmem>>
          %dma_start3A_291 = tpu.memref_squeeze %dma_start3A_290 : memref<1x256x128xf32, #tpu.memory_space<vmem>> -> memref<256x128xf32, #tpu.memory_space<vmem>>
          %dma_start3A_292 = arith.constant 0 : i32
          %dma_start3A_293 = tpu.memref_slice %arg6[%mul3A_287, %dma_start3A_292] : memref<32768x128xf32, #tpu.memory_space<hbm>> -> memref<256x128xf32, #tpu.memory_space<hbm>>
          %dma_start3A_294 = tpu.memref_slice %run_scoped3A_28[%rem3A_285] : memref<2x!tpu.dma_semaphore, #tpu.memory_space<semaphore_mem>> -> memref<1x!tpu.dma_semaphore, #tpu.memory_space<semaphore_mem>>
          %dma_start3A_295 = tpu.memref_squeeze %dma_start3A_294 : memref<1x!tpu.dma_semaphore, #tpu.memory_space<semaphore_mem>> -> memref<!tpu.dma_semaphore, #tpu.memory_space<semaphore_mem>>
          %dma_start3A_296 = arith.constant 0 : i32
          %dma_start3A_297 = tpu.memref_slice %arg6[%mul3A_287, %dma_start3A_296] : memref<32768x128xf32, #tpu.memory_space<hbm>> -> memref<256x128xf32, #tpu.memory_space<hbm>>
          %dma_start3A_298 = arith.constant 0 : i32
          %dma_start3A_299 = arith.constant 0 : i32
          %dma_start3A_300 = tpu.memref_slice %run_scoped3A_27[%rem3A_285, %dma_start3A_298, %dma_start3A_299] : memref<2x256x128xf32, #tpu.memory_space<vmem>> -> memref<1x256x128xf32, #tpu.memory_space<vmem>>
          %dma_start3A_301 = tpu.memref_squeeze %dma_start3A_300 : memref<1x256x128xf32, #tpu.memory_space<vmem>> -> memref<256x128xf32, #tpu.memory_space<vmem>>
          tpu.enqueue_dma source(%dma_start3A_301 : memref<256x128xf32, #tpu.memory_space<vmem>>) target(%dma_start3A_297 : memref<256x128xf32, #tpu.memory_space<hbm>>) target_semaphore(%dma_start3A_295 : memref<!tpu.dma_semaphore, #tpu.memory_space<semaphore_mem>>)
          "tpu.trace_stop"() : () -> ()
        } else {
        }
        %and3A_237 = arith.constant true
        %and3A_238 = arith.andi %or3A_233, %and3A_237 : i1
        %add3A_239 = arith.constant 1 : i32
        %add3A_240 = arith.addi %scan3A_144, %add3A_239 : i32
        %select_n3A_241 = arith.select %and3A_238, %add3A_240, %scan3A_144 : i32
        %ne3A_242 = arith.cmpi ne, %add3A_151, %add3A_160 : i32
        %or3A_243 = arith.constant false
        %or3A_244 = arith.ori %or3A_243, %ne3A_242 : i1
        %not3A_245 = arith.constant true
        %not3A_246 = arith.xori %eq3A_148, %not3A_245 : i1
        %and3A_247 = arith.andi %or3A_244, %not3A_246 : i1
        %convert_element_type3A_248 = arith.extui %and3A_247 : i1 to i32
        %cond3A_249 = arith.constant 0 : i32
        %cond3A_250 = arith.cmpi ne, %convert_element_type3A_248, %cond3A_249 : i32
        scf.if %cond3A_250 {
        } else {
        }
        %and3A_251 = arith.constant false
        %and3A_252 = arith.andi %and3A_247, %and3A_251 : i1
        %ne3A_253 = arith.cmpi ne, %add3A_151, %add3A_160 : i32
        %or3A_254 = arith.constant false
        %or3A_255 = arith.ori %or3A_254, %ne3A_253 : i1
        %or3A_256 = arith.constant false
        %or3A_257 = arith.ori %or3A_255, %or3A_256 : i1
        %not3A_258 = arith.constant true
        %not3A_259 = arith.xori %eq3A_148, %not3A_258 : i1
        %and3A_260 = arith.andi %or3A_257, %not3A_259 : i1
        %convert_element_type3A_261 = arith.extui %and3A_260 : i1 to i32
        %cond3A_262 = arith.constant 0 : i32
        %cond3A_263 = arith.cmpi ne, %convert_element_type3A_261, %cond3A_262 : i32
        scf.if %cond3A_263 {
          "tpu.trace_start"() <{level = 10 : i32, message = "ep_wait_out"}> : () -> ()
          %rem3A_284 = arith.constant 2 : i32
          %rem3A_285 = arith.remui %scan3A_145, %rem3A_284 : i32
          %mul3A_286 = arith.constant 256 : i32
          %mul3A_287 = arith.muli %mul3A_286, %add3A_160 : i32
          %dma_wait3A_288 = arith.constant 0 : i32
          %dma_wait3A_289 = arith.constant 0 : i32
          %dma_wait3A_290 = tpu.memref_slice %run_scoped3A_27[%rem3A_285, %dma_wait3A_288, %dma_wait3A_289] : memref<2x256x128xf32, #tpu.memory_space<vmem>> -> memref<1x256x128xf32, #tpu.memory_space<vmem>>
          %dma_wait3A_291 = tpu.memref_squeeze %dma_wait3A_290 : memref<1x256x128xf32, #tpu.memory_space<vmem>> -> memref<256x128xf32, #tpu.memory_space<vmem>>
          %dma_wait3A_292 = arith.constant 0 : i32
          %dma_wait3A_293 = tpu.memref_slice %arg6[%mul3A_287, %dma_wait3A_292] : memref<32768x128xf32, #tpu.memory_space<hbm>> -> memref<256x128xf32, #tpu.memory_space<hbm>>
          %dma_wait3A_294 = tpu.memref_slice %run_scoped3A_28[%rem3A_285] : memref<2x!tpu.dma_semaphore, #tpu.memory_space<semaphore_mem>> -> memref<1x!tpu.dma_semaphore, #tpu.memory_space<semaphore_mem>>
          %dma_wait3A_295 = tpu.memref_squeeze %dma_wait3A_294 : memref<1x!tpu.dma_semaphore, #tpu.memory_space<semaphore_mem>> -> memref<!tpu.dma_semaphore, #tpu.memory_space<semaphore_mem>>
          %dma_wait3A_296 = arith.constant 0 : i32
          %dma_wait3A_297 = tpu.memref_slice %arg6[%mul3A_287, %dma_wait3A_296] : memref<32768x128xf32, #tpu.memory_space<hbm>> -> memref<256x128xf32, #tpu.memory_space<hbm>>
          %dma_wait3A_298 = arith.constant 0 : i32
          %dma_wait3A_299 = arith.constant 0 : i32
          %dma_wait3A_300 = tpu.memref_slice %run_scoped3A_27[%rem3A_285, %dma_wait3A_298, %dma_wait3A_299] : memref<2x256x128xf32, #tpu.memory_space<vmem>> -> memref<1x256x128xf32, #tpu.memory_space<vmem>>
          %dma_wait3A_301 = tpu.memref_squeeze %dma_wait3A_300 : memref<1x256x128xf32, #tpu.memory_space<vmem>> -> memref<256x128xf32, #tpu.memory_space<vmem>>
          tpu.wait_dma2 semaphore(%dma_wait3A_295 : memref<!tpu.dma_semaphore, #tpu.memory_space<semaphore_mem>>) src(%dma_wait3A_301 : memref<256x128xf32, #tpu.memory_space<vmem>>) dst(%dma_wait3A_297 : memref<256x128xf32, #tpu.memory_space<hbm>>)
          "tpu.trace_stop"() : () -> ()
        } else {
        }
        %and3A_264 = arith.constant true
        %and3A_265 = arith.andi %and3A_260, %and3A_264 : i1
        %add3A_266 = arith.constant 1 : i32
        %add3A_267 = arith.addi %scan3A_145, %add3A_266 : i32
        %select_n3A_268 = arith.select %and3A_265, %add3A_267, %scan3A_145 : i32
        %ne3A_269 = arith.cmpi ne, %add3A_151, %add3A_169 : i32
        %or3A_270 = arith.constant false
        %or3A_271 = arith.ori %or3A_270, %ne3A_269 : i1
        %or3A_272 = arith.ori %or3A_271, %eq3A_150 : i1
        %add3A_273 = arith.constant 1 : i32
        %add3A_274 = arith.addi %scan3A_143, %add3A_273 : i32
        %select_n3A_275 = arith.select %or3A_272, %add3A_274, %scan3A_143 : i32
        %add3A_276 = arith.constant 1 : i32
        %add3A_277 = arith.addi %scan3A_146, %add3A_276 : i32
        %select_n3A_278 = arith.constant true
        %select_n3A_279 = arith.select %select_n3A_278, %add3A_277, %scan3A_146 : i32
        %eq3A_280 = arith.constant 4 : i32
        %eq3A_281 = arith.cmpi eq, %select_n3A_279, %eq3A_280 : i32
        %select_n3A_282 = arith.constant 0 : i32
        %select_n3A_283 = arith.select %eq3A_281, %select_n3A_282, %select_n3A_279 : i32
        scf.yield %select_n3A_187, %select_n3A_275, %select_n3A_241, %select_n3A_268, %select_n3A_283 : i32, i32, i32, i32, i32
      }
      %scan3A_88 = arith.constant 4 : i32
      %sub3A = arith.constant 1 : i32
      %sub3A_89 = arith.subi %scan3A_87#4, %sub3A : i32
      %select_n3A_90 = arith.constant true
      %select_n3A_91 = arith.select %select_n3A_90, %sub3A_89, %scan3A_87#4 : i32
      %eq3A_92 = arith.constant -1 : i32
      %eq3A_93 = arith.cmpi eq, %select_n3A_91, %eq3A_92 : i32
      %select_n3A_94 = arith.constant 3 : i32
      %select_n3A_95 = arith.select %eq3A_93, %select_n3A_94, %select_n3A_91 : i32
      %add3A_96 = arith.addi %select_n3A_95, %mul3A_6 : i32
      %sub3A_97 = arith.constant 1 : i32
      %sub3A_98 = arith.subi %select_n3A_95, %sub3A_97 : i32
      %select_n3A_99 = arith.constant true
      %select_n3A_100 = arith.select %select_n3A_99, %sub3A_98, %select_n3A_95 : i32
      %eq3A_101 = arith.constant -1 : i32
      %eq3A_102 = arith.cmpi eq, %select_n3A_100, %eq3A_101 : i32
      %select_n3A_103 = arith.constant 3 : i32
      %select_n3A_104 = arith.select %eq3A_102, %select_n3A_103, %select_n3A_100 : i32
      %add3A_105 = arith.addi %select_n3A_104, %mul3A_6 : i32
      %add3A_106 = arith.constant 1 : i32
      %add3A_107 = arith.addi %select_n3A_95, %add3A_106 : i32
      %select_n3A_108 = arith.constant true
      %select_n3A_109 = arith.select %select_n3A_108, %add3A_107, %select_n3A_95 : i32
      %eq3A_110 = arith.constant 4 : i32
      %eq3A_111 = arith.cmpi eq, %select_n3A_109, %eq3A_110 : i32
      %select_n3A_112 = arith.constant 0 : i32
      %select_n3A_113 = arith.select %eq3A_111, %select_n3A_112, %select_n3A_109 : i32
      %add3A_114 = arith.addi %select_n3A_113, %mul3A_6 : i32
      %add3A_115 = arith.constant 1 : i32
      %add3A_116 = arith.addi %select_n3A_113, %add3A_115 : i32
      %select_n3A_117 = arith.constant true
      %select_n3A_118 = arith.select %select_n3A_117, %add3A_116, %select_n3A_113 : i32
      %eq3A_119 = arith.constant 4 : i32
      %eq3A_120 = arith.cmpi eq, %select_n3A_118, %eq3A_119 : i32
      %select_n3A_121 = arith.constant 0 : i32
      %select_n3A_122 = arith.select %eq3A_120, %select_n3A_121, %select_n3A_118 : i32
      %add3A_123 = arith.addi %select_n3A_122, %mul3A_6 : i32
      "tpu.trace_start"() <{level = 10 : i32, message = "ep_finalize"}> : () -> ()
      %rem3A_124 = arith.constant 2 : i32
      %rem3A_125 = arith.remui %scan3A_87#3, %rem3A_124 : i32
      %mul3A_126 = arith.constant 256 : i32
      %mul3A_127 = arith.muli %mul3A_126, %add3A_96 : i32
      %dma_wait3A = arith.constant 0 : i32
      %dma_wait3A_128 = arith.constant 0 : i32
      %dma_wait3A_129 = tpu.memref_slice %run_scoped3A_27[%rem3A_125, %dma_wait3A, %dma_wait3A_128] : memref<2x256x128xf32, #tpu.memory_space<vmem>> -> memref<1x256x128xf32, #tpu.memory_space<vmem>>
      %dma_wait3A_130 = tpu.memref_squeeze %dma_wait3A_129 : memref<1x256x128xf32, #tpu.memory_space<vmem>> -> memref<256x128xf32, #tpu.memory_space<vmem>>
      %dma_wait3A_131 = arith.constant 0 : i32
      %dma_wait3A_132 = tpu.memref_slice %arg6[%mul3A_127, %dma_wait3A_131] : memref<32768x128xf32, #tpu.memory_space<hbm>> -> memref<256x128xf32, #tpu.memory_space<hbm>>
      %dma_wait3A_133 = tpu.memref_slice %run_scoped3A_28[%rem3A_125] : memref<2x!tpu.dma_semaphore, #tpu.memory_space<semaphore_mem>> -> memref<1x!tpu.dma_semaphore, #tpu.memory_space<semaphore_mem>>
      %dma_wait3A_134 = tpu.memref_squeeze %dma_wait3A_133 : memref<1x!tpu.dma_semaphore, #tpu.memory_space<semaphore_mem>> -> memref<!tpu.dma_semaphore, #tpu.memory_space<semaphore_mem>>
      %dma_wait3A_135 = arith.constant 0 : i32
      %dma_wait3A_136 = tpu.memref_slice %arg6[%mul3A_127, %dma_wait3A_135] : memref<32768x128xf32, #tpu.memory_space<hbm>> -> memref<256x128xf32, #tpu.memory_space<hbm>>
      %dma_wait3A_137 = arith.constant 0 : i32
      %dma_wait3A_138 = arith.constant 0 : i32
      %dma_wait3A_139 = tpu.memref_slice %run_scoped3A_27[%rem3A_125, %dma_wait3A_137, %dma_wait3A_138] : memref<2x256x128xf32, #tpu.memory_space<vmem>> -> memref<1x256x128xf32, #tpu.memory_space<vmem>>
      %dma_wait3A_140 = tpu.memref_squeeze %dma_wait3A_139 : memref<1x256x128xf32, #tpu.memory_space<vmem>> -> memref<256x128xf32, #tpu.memory_space<vmem>>
      tpu.wait_dma2 semaphore(%dma_wait3A_134 : memref<!tpu.dma_semaphore, #tpu.memory_space<semaphore_mem>>) src(%dma_wait3A_140 : memref<256x128xf32, #tpu.memory_space<vmem>>) dst(%dma_wait3A_136 : memref<256x128xf32, #tpu.memory_space<hbm>>)
      "tpu.trace_stop"() : () -> ()
      tpu.yield
    }) : () -> ()
    %mul3A_7 = arith.constant 1 : i32
    %mul3A_8 = arith.muli %arg1, %mul3A_7 : i32
    %add3A_9 = arith.constant 0 : i32
    %add3A_10 = arith.addi %add3A_9, %mul3A_8 : i32
    %mul3A_11 = arith.constant 16 : i32
    %mul3A_12 = arith.muli %arg0, %mul3A_11 : i32
    %add3A_13 = arith.addi %add3A_10, %mul3A_12 : i32
    %lt3A = arith.constant 8 : i32
    %lt3A_14 = arith.cmpi slt, %add3A_13, %lt3A : i32
    %jit3A = arith.constant 1 : i32
    %jit3A_15 = arith.constant 0 : i32
    %select_n3A = arith.select %lt3A_14, %jit3A, %jit3A_15 : i32
    %lt3A_16 = arith.constant 8 : i32
    %lt3A_17 = arith.cmpi slt, %add3A_13, %lt3A_16 : i32
    %mul3A_18 = arith.muli %add3A_13, %select_n3A : i32
    %mul3A_19 = arith.constant 0 : i32
    %mul3A_20 = arith.muli %add3A_13, %mul3A_19 : i32
    %add3A_21 = arith.constant 8 : i32
    %add3A_22 = arith.addi %mul3A_20, %add3A_21 : i32
    %select_n3A_23 = arith.select %lt3A_17, %mul3A_18, %add3A_22 : i32
    %mul3A_24 = arith.constant 1 : i32
    %mul3A_25 = arith.muli %mul3A_24, %select_n3A : i32
    "tpu.region"() ({
      %run_scoped3A = memref.alloca() : memref<2x1x128xi32, #tpu.memory_space<vmem>>
      %run_scoped3A_26 = tpu.sem_alloc : memref<2x!tpu.dma_semaphore, #tpu.memory_space<semaphore_mem>>
      %run_scoped3A_27 = memref.alloca() : memref<2x128x128xf32, #tpu.memory_space<vmem>>
      %run_scoped3A_28 = tpu.sem_alloc : memref<2x!tpu.dma_semaphore, #tpu.memory_space<semaphore_mem>>
      %gt3A = arith.constant 0 : i32
      %gt3A_29 = arith.cmpi sgt, %mul3A_25, %gt3A : i32
      %convert_element_type3A = arith.extui %gt3A_29 : i1 to i32
      %cond3A = arith.constant 0 : i32
      %cond3A_30 = arith.cmpi ne, %convert_element_type3A, %cond3A : i32
      scf.if %cond3A_30 {
        %mul3A_31 = arith.constant 1 : i32
        %mul3A_32 = arith.muli %mul3A_31, %select_n3A : i32
        %sub3A = arith.constant 1 : i32
        %sub3A_33 = arith.subi %mul3A_32, %sub3A : i32
        %eq3A = arith.constant 0 : i32
        %eq3A_34 = arith.cmpi eq, %sub3A_33, %eq3A : i32
        %add3A_35 = arith.constant 0 : i32
        %add3A_36 = arith.addi %add3A_35, %select_n3A_23 : i32
        %select_n3A_37 = arith.constant true
        %select_n3A_38 = arith.constant 0 : i32
        %select_n3A_39 = arith.constant -1 : i32
        %select_n3A_40 = arith.select %select_n3A_37, %select_n3A_39, %select_n3A_38 : i32
        %eq3A_41 = arith.constant -1 : i32
        %eq3A_42 = arith.cmpi eq, %select_n3A_40, %eq3A_41 : i32
        %sub3A_43 = arith.constant 1 : i32
        %sub3A_44 = arith.subi %select_n3A, %sub3A_43 : i32
        %select_n3A_45 = arith.select %eq3A_42, %sub3A_44, %select_n3A_40 : i32
        %add3A_46 = arith.addi %select_n3A_45, %select_n3A_23 : i32
        %select_n3A_47 = arith.constant true
        %select_n3A_48 = arith.constant 0 : i32
        %select_n3A_49 = arith.constant 1 : i32
        %select_n3A_50 = arith.select %select_n3A_47, %select_n3A_49, %select_n3A_48 : i32
        %eq3A_51 = arith.cmpi eq, %select_n3A_50, %select_n3A : i32
        %select_n3A_52 = arith.constant 0 : i32
        %select_n3A_53 = arith.select %eq3A_51, %select_n3A_52, %select_n3A_50 : i32
        %add3A_54 = arith.addi %select_n3A_53, %select_n3A_23 : i32
        %add3A_55 = arith.constant 1 : i32
        %add3A_56 = arith.addi %select_n3A_53, %add3A_55 : i32
        %select_n3A_57 = arith.constant true
        %select_n3A_58 = arith.select %select_n3A_57, %add3A_56, %select_n3A_53 : i32
        %eq3A_59 = arith.cmpi eq, %select_n3A_58, %select_n3A : i32
        %select_n3A_60 = arith.constant 0 : i32
        %select_n3A_61 = arith.select %eq3A_59, %select_n3A_60, %select_n3A_58 : i32
        %add3A_62 = arith.addi %select_n3A_61, %select_n3A_23 : i32
        "tpu.trace_start"() <{level = 10 : i32, message = "ep_initialize_0"}> : () -> ()
        %rem3A = arith.constant 0 : i32
        %rem3A_63 = arith.constant 2 : i32
        %rem3A_64 = arith.remui %rem3A, %rem3A_63 : i32
        %mul3A_65 = arith.constant 128 : i32
        %mul3A_66 = arith.muli %mul3A_65, %add3A_36 : i32
        %dma_start3A = arith.constant 0 : i32
        %dma_start3A_67 = arith.constant 0 : i32
        %dma_start3A_68 = tpu.memref_slice %run_scoped3A[%rem3A_64, %dma_start3A, %dma_start3A_67] : memref<2x1x128xi32, #tpu.memory_space<vmem>> -> memref<1x1x128xi32, #tpu.memory_space<vmem>>
        %dma_start3A_69 = tpu.memref_squeeze %dma_start3A_68 : memref<1x1x128xi32, #tpu.memory_space<vmem>> -> memref<1x128xi32, #tpu.memory_space<vmem>>
        %dma_start3A_70 = arith.constant 0 : i32
        %dma_start3A_71 = tpu.memref_slice %arg5[%dma_start3A_70, %mul3A_66] : memref<1x1024xi32, #tpu.memory_space<hbm>> -> memref<1x128xi32, #tpu.memory_space<hbm>>
        %dma_start3A_72 = tpu.memref_slice %run_scoped3A_26[%rem3A_64] : memref<2x!tpu.dma_semaphore, #tpu.memory_space<semaphore_mem>> -> memref<1x!tpu.dma_semaphore, #tpu.memory_space<semaphore_mem>>
        %dma_start3A_73 = tpu.memref_squeeze %dma_start3A_72 : memref<1x!tpu.dma_semaphore, #tpu.memory_space<semaphore_mem>> -> memref<!tpu.dma_semaphore, #tpu.memory_space<semaphore_mem>>
        %dma_start3A_74 = arith.constant 0 : i32
        %dma_start3A_75 = arith.constant 0 : i32
        %dma_start3A_76 = tpu.memref_slice %run_scoped3A[%rem3A_64, %dma_start3A_74, %dma_start3A_75] : memref<2x1x128xi32, #tpu.memory_space<vmem>> -> memref<1x1x128xi32, #tpu.memory_space<vmem>>
        %dma_start3A_77 = tpu.memref_squeeze %dma_start3A_76 : memref<1x1x128xi32, #tpu.memory_space<vmem>> -> memref<1x128xi32, #tpu.memory_space<vmem>>
        %dma_start3A_78 = arith.constant 0 : i32
        %dma_start3A_79 = tpu.memref_slice %arg5[%dma_start3A_78, %mul3A_66] : memref<1x1024xi32, #tpu.memory_space<hbm>> -> memref<1x128xi32, #tpu.memory_space<hbm>>
        tpu.enqueue_dma source(%dma_start3A_79 : memref<1x128xi32, #tpu.memory_space<hbm>>) target(%dma_start3A_77 : memref<1x128xi32, #tpu.memory_space<vmem>>) target_semaphore(%dma_start3A_73 : memref<!tpu.dma_semaphore, #tpu.memory_space<semaphore_mem>>)
        %add3A_80 = arith.constant 0 : i32
        %add3A_81 = arith.constant 1 : i32
        %add3A_82 = arith.addi %add3A_80, %add3A_81 : i32
        %select_n3A_83 = arith.constant true
        %select_n3A_84 = arith.constant 0 : i32
        %select_n3A_85 = arith.select %select_n3A_83, %add3A_82, %select_n3A_84 : i32
        %while3A = arith.constant 0 : i32
        %while3A_86 = arith.constant 0 : i32
        %while3A_87 = arith.constant 0 : i32
        %while3A_88 = arith.constant 0 : i32
        %while3A_89 = arith.constant 0 : i32
        "tpu.trace_stop"() : () -> ()
        %while3A_90 = arith.subi %mul3A_25, %while3A : i32
        %while3A_91 = arith.addi %while3A, %while3A_90 : i32
        %while3A_92 = arith.constant 1 : i32
        %while3A_93 = arith.divsi %while3A_90, %while3A_92 : i32
        %while3A_94 = arith.muli %while3A_93, %while3A_92 : i32
        %while3A_95 = arith.addi %while3A, %while3A_94 : i32
        %while3A_96 = arith.constant 1 : i32
        %while3A_97:5 = scf.for %while3A_151 = %while3A to %while3A_95 step %while3A_96 iter_args(%while3A_152 = %select_n3A_85, %while3A_153 = %while3A_86, %while3A_154 = %while3A_87, %while3A_155 = %while3A_88, %while3A_156 = %while3A_89) -> (i32, i32, i32, i32, i32)  : i32 {
          %mul3A_157 = arith.constant 1 : i32
          %mul3A_158 = arith.muli %mul3A_157, %select_n3A : i32
          %eq3A_159 = arith.constant 0 : i32
          %eq3A_160 = arith.cmpi eq, %while3A_151, %eq3A_159 : i32
          %sub3A_161 = arith.constant 1 : i32
          %sub3A_162 = arith.subi %mul3A_158, %sub3A_161 : i32
          %eq3A_163 = arith.cmpi eq, %while3A_151, %sub3A_162 : i32
          %add3A_164 = arith.addi %while3A_156, %select_n3A_23 : i32
          %sub3A_165 = arith.constant 1 : i32
          %sub3A_166 = arith.subi %while3A_156, %sub3A_165 : i32
          %select_n3A_167 = arith.constant true
          %select_n3A_168 = arith.select %select_n3A_167, %sub3A_166, %while3A_156 : i32
          %eq3A_169 = arith.constant -1 : i32
          %eq3A_170 = arith.cmpi eq, %select_n3A_168, %eq3A_169 : i32
          %sub3A_171 = arith.constant 1 : i32
          %sub3A_172 = arith.subi %select_n3A, %sub3A_171 : i32
          %select_n3A_173 = arith.select %eq3A_170, %sub3A_172, %select_n3A_168 : i32
          %add3A_174 = arith.addi %select_n3A_173, %select_n3A_23 : i32
          %add3A_175 = arith.constant 1 : i32
          %add3A_176 = arith.addi %while3A_156, %add3A_175 : i32
          %select_n3A_177 = arith.constant true
          %select_n3A_178 = arith.select %select_n3A_177, %add3A_176, %while3A_156 : i32
          %eq3A_179 = arith.cmpi eq, %select_n3A_178, %select_n3A : i32
          %select_n3A_180 = arith.constant 0 : i32
          %select_n3A_181 = arith.select %eq3A_179, %select_n3A_180, %select_n3A_178 : i32
          %add3A_182 = arith.addi %select_n3A_181, %select_n3A_23 : i32
          %add3A_183 = arith.constant 1 : i32
          %add3A_184 = arith.addi %select_n3A_181, %add3A_183 : i32
          %select_n3A_185 = arith.constant true
          %select_n3A_186 = arith.select %select_n3A_185, %add3A_184, %select_n3A_181 : i32
          %eq3A_187 = arith.cmpi eq, %select_n3A_186, %select_n3A : i32
          %select_n3A_188 = arith.constant 0 : i32
          %select_n3A_189 = arith.select %eq3A_187, %select_n3A_188, %select_n3A_186 : i32
          %add3A_190 = arith.addi %select_n3A_189, %select_n3A_23 : i32
          %ne3A = arith.cmpi ne, %add3A_164, %add3A_182 : i32
          %or3A = arith.constant false
          %or3A_191 = arith.ori %or3A, %ne3A : i1
          %sub3A_192 = arith.constant 2 : i32
          %sub3A_193 = arith.subi %mul3A_158, %sub3A_192 : i32
          %add3A_194 = arith.constant 1 : i32
          %add3A_195 = arith.addi %sub3A_193, %add3A_194 : i32
          %ge3A = arith.cmpi sge, %while3A_151, %add3A_195 : i32
          %not3A = arith.constant true
          %not3A_196 = arith.xori %ge3A, %not3A : i1
          %and3A = arith.andi %or3A_191, %not3A_196 : i1
          %convert_element_type3A_197 = arith.extui %and3A : i1 to i32
          %cond3A_198 = arith.constant 0 : i32
          %cond3A_199 = arith.cmpi ne, %convert_element_type3A_197, %cond3A_198 : i32
          scf.if %cond3A_199 {
            "tpu.trace_start"() <{level = 10 : i32, message = "ep_copy_in"}> : () -> ()
            %rem3A_303 = arith.constant 2 : i32
            %rem3A_304 = arith.remui %while3A_152, %rem3A_303 : i32
            %mul3A_305 = arith.constant 128 : i32
            %mul3A_306 = arith.muli %mul3A_305, %add3A_182 : i32
            %dma_start3A_307 = arith.constant 0 : i32
            %dma_start3A_308 = arith.constant 0 : i32
            %dma_start3A_309 = tpu.memref_slice %run_scoped3A[%rem3A_304, %dma_start3A_307, %dma_start3A_308] : memref<2x1x128xi32, #tpu.memory_space<vmem>> -> memref<1x1x128xi32, #tpu.memory_space<vmem>>
            %dma_start3A_310 = tpu.memref_squeeze %dma_start3A_309 : memref<1x1x128xi32, #tpu.memory_space<vmem>> -> memref<1x128xi32, #tpu.memory_space<vmem>>
            %dma_start3A_311 = arith.constant 0 : i32
            %dma_start3A_312 = tpu.memref_slice %arg5[%dma_start3A_311, %mul3A_306] : memref<1x1024xi32, #tpu.memory_space<hbm>> -> memref<1x128xi32, #tpu.memory_space<hbm>>
            %dma_start3A_313 = tpu.memref_slice %run_scoped3A_26[%rem3A_304] : memref<2x!tpu.dma_semaphore, #tpu.memory_space<semaphore_mem>> -> memref<1x!tpu.dma_semaphore, #tpu.memory_space<semaphore_mem>>
            %dma_start3A_314 = tpu.memref_squeeze %dma_start3A_313 : memref<1x!tpu.dma_semaphore, #tpu.memory_space<semaphore_mem>> -> memref<!tpu.dma_semaphore, #tpu.memory_space<semaphore_mem>>
            %dma_start3A_315 = arith.constant 0 : i32
            %dma_start3A_316 = arith.constant 0 : i32
            %dma_start3A_317 = tpu.memref_slice %run_scoped3A[%rem3A_304, %dma_start3A_315, %dma_start3A_316] : memref<2x1x128xi32, #tpu.memory_space<vmem>> -> memref<1x1x128xi32, #tpu.memory_space<vmem>>
            %dma_start3A_318 = tpu.memref_squeeze %dma_start3A_317 : memref<1x1x128xi32, #tpu.memory_space<vmem>> -> memref<1x128xi32, #tpu.memory_space<vmem>>
            %dma_start3A_319 = arith.constant 0 : i32
            %dma_start3A_320 = tpu.memref_slice %arg5[%dma_start3A_319, %mul3A_306] : memref<1x1024xi32, #tpu.memory_space<hbm>> -> memref<1x128xi32, #tpu.memory_space<hbm>>
            tpu.enqueue_dma source(%dma_start3A_320 : memref<1x128xi32, #tpu.memory_space<hbm>>) target(%dma_start3A_318 : memref<1x128xi32, #tpu.memory_space<vmem>>) target_semaphore(%dma_start3A_314 : memref<!tpu.dma_semaphore, #tpu.memory_space<semaphore_mem>>)
            "tpu.trace_stop"() : () -> ()
          } else {
          }
          %and3A_200 = arith.constant true
          %and3A_201 = arith.andi %and3A, %and3A_200 : i1
          %add3A_202 = arith.constant 1 : i32
          %add3A_203 = arith.addi %while3A_152, %add3A_202 : i32
          %select_n3A_204 = arith.select %and3A_201, %add3A_203, %while3A_152 : i32
          %ne3A_205 = arith.cmpi ne, %add3A_164, %add3A_182 : i32
          %or3A_206 = arith.constant false
          %or3A_207 = arith.ori %or3A_206, %ne3A_205 : i1
          %or3A_208 = arith.constant false
          %or3A_209 = arith.ori %or3A_207, %or3A_208 : i1
          %sub3A_210 = arith.constant 2 : i32
          %sub3A_211 = arith.subi %mul3A_158, %sub3A_210 : i32
          %add3A_212 = arith.constant 1 : i32
          %add3A_213 = arith.addi %sub3A_211, %add3A_212 : i32
          %ge3A_214 = arith.cmpi sge, %while3A_151, %add3A_213 : i32
          %not3A_215 = arith.constant true
          %not3A_216 = arith.xori %ge3A_214, %not3A_215 : i1
          %and3A_217 = arith.andi %or3A_209, %not3A_216 : i1
          %ne3A_218 = arith.cmpi ne, %add3A_164, %add3A_174 : i32
          %or3A_219 = arith.constant false
          %or3A_220 = arith.ori %or3A_219, %ne3A_218 : i1
          %or3A_221 = arith.ori %or3A_220, %eq3A_160 : i1
          %convert_element_type3A_222 = arith.extui %or3A_221 : i1 to i32
          %cond3A_223 = arith.constant 0 : i32
          %cond3A_224 = arith.cmpi ne, %convert_element_type3A_222, %cond3A_223 : i32
          scf.if %cond3A_224 {
            "tpu.trace_start"() <{level = 10 : i32, message = "ep_wait_in"}> : () -> ()
            %mul3A_303 = arith.constant 128 : i32
            %mul3A_304 = arith.muli %mul3A_303, %add3A_164 : i32
            %rem3A_305 = arith.constant 2 : i32
            %rem3A_306 = arith.remui %while3A_153, %rem3A_305 : i32
            %dma_wait3A = arith.constant 0 : i32
            %dma_wait3A_307 = arith.constant 0 : i32
            %dma_wait3A_308 = tpu.memref_slice %run_scoped3A[%rem3A_306, %dma_wait3A, %dma_wait3A_307] : memref<2x1x128xi32, #tpu.memory_space<vmem>> -> memref<1x1x128xi32, #tpu.memory_space<vmem>>
            %dma_wait3A_309 = tpu.memref_squeeze %dma_wait3A_308 : memref<1x1x128xi32, #tpu.memory_space<vmem>> -> memref<1x128xi32, #tpu.memory_space<vmem>>
            %dma_wait3A_310 = arith.constant 0 : i32
            %dma_wait3A_311 = tpu.memref_slice %arg5[%dma_wait3A_310, %mul3A_304] : memref<1x1024xi32, #tpu.memory_space<hbm>> -> memref<1x128xi32, #tpu.memory_space<hbm>>
            %dma_wait3A_312 = tpu.memref_slice %run_scoped3A_26[%rem3A_306] : memref<2x!tpu.dma_semaphore, #tpu.memory_space<semaphore_mem>> -> memref<1x!tpu.dma_semaphore, #tpu.memory_space<semaphore_mem>>
            %dma_wait3A_313 = tpu.memref_squeeze %dma_wait3A_312 : memref<1x!tpu.dma_semaphore, #tpu.memory_space<semaphore_mem>> -> memref<!tpu.dma_semaphore, #tpu.memory_space<semaphore_mem>>
            %dma_wait3A_314 = arith.constant 0 : i32
            %dma_wait3A_315 = arith.constant 0 : i32
            %dma_wait3A_316 = tpu.memref_slice %run_scoped3A[%rem3A_306, %dma_wait3A_314, %dma_wait3A_315] : memref<2x1x128xi32, #tpu.memory_space<vmem>> -> memref<1x1x128xi32, #tpu.memory_space<vmem>>
            %dma_wait3A_317 = tpu.memref_squeeze %dma_wait3A_316 : memref<1x1x128xi32, #tpu.memory_space<vmem>> -> memref<1x128xi32, #tpu.memory_space<vmem>>
            %dma_wait3A_318 = arith.constant 0 : i32
            %dma_wait3A_319 = tpu.memref_slice %arg5[%dma_wait3A_318, %mul3A_304] : memref<1x1024xi32, #tpu.memory_space<hbm>> -> memref<1x128xi32, #tpu.memory_space<hbm>>
            tpu.wait_dma2 semaphore(%dma_wait3A_313 : memref<!tpu.dma_semaphore, #tpu.memory_space<semaphore_mem>>) src(%dma_wait3A_319 : memref<1x128xi32, #tpu.memory_space<hbm>>) dst(%dma_wait3A_317 : memref<1x128xi32, #tpu.memory_space<vmem>>)
            "tpu.trace_stop"() : () -> ()
          } else {
          }
          %ne3A_225 = arith.cmpi ne, %add3A_164, %add3A_174 : i32
          %or3A_226 = arith.constant false
          %or3A_227 = arith.ori %or3A_226, %ne3A_225 : i1
          %or3A_228 = arith.constant false
          %or3A_229 = arith.ori %or3A_227, %or3A_228 : i1
          %or3A_230 = arith.ori %or3A_229, %eq3A_160 : i1
          %convert_element_type3A_231 = arith.extui %or3A_230 : i1 to i32
          %cond3A_232 = arith.constant 0 : i32
          %cond3A_233 = arith.cmpi ne, %convert_element_type3A_231, %cond3A_232 : i32
          scf.if %cond3A_233 {
          } else {
          }
          %rem3A_234 = arith.constant 2 : i32
          %rem3A_235 = arith.remui %while3A_153, %rem3A_234 : i32
          %rem3A_236 = arith.constant 2 : i32
          %rem3A_237 = arith.remui %while3A_154, %rem3A_236 : i32
          %run_scoped3A_238 = arith.constant 0 : i32
          "tpu.trace_start"() <{level = 10 : i32, message = "ep_run_kernel"}> : () -> ()
          "tpu.region"() ({
            %run_scoped3A_303 = tpu.sem_alloc : memref<!tpu.dma_semaphore, #tpu.memory_space<semaphore_mem>>
            %dma_start3A_304 = arith.constant 0 : i32
            %dma_start3A_305 = arith.constant 0 : i32
            %dma_start3A_306 = tpu.memref_slice %run_scoped3A_27[%rem3A_237, %dma_start3A_304, %dma_start3A_305] : memref<2x128x128xf32, #tpu.memory_space<vmem>> -> memref<1x128x128xf32, #tpu.memory_space<vmem>>
            %dma_start3A_307 = tpu.memref_squeeze %dma_start3A_306 : memref<1x128x128xf32, #tpu.memory_space<vmem>> -> memref<128x128xf32, #tpu.memory_space<vmem>>
            %dma_start3A_308 = arith.constant 0 : i32
            %dma_start3A_309 = arith.constant 0 : i32
            %dma_start3A_310 = tpu.memref_slice %run_scoped3A[%rem3A_235, %dma_start3A_308, %dma_start3A_309] : memref<2x1x128xi32, #tpu.memory_space<vmem>> -> memref<1x1x128xi32, #tpu.memory_space<vmem>>
            %dma_start3A_311 = tpu.memref_squeeze %dma_start3A_310 : memref<1x1x128xi32, #tpu.memory_space<vmem>> -> memref<1x128xi32, #tpu.memory_space<vmem>>
            %dma_start3A_312 = arith.constant 0 : i32
            %dma_start3A_313 = tpu.memref_slice %dma_start3A_311[%run_scoped3A_238, %dma_start3A_312] : memref<1x128xi32, #tpu.memory_space<vmem>> -> memref<1x128xi32, #tpu.memory_space<vmem>>
            %dma_start3A_314 = tpu.memref_squeeze %dma_start3A_313 : memref<1x128xi32, #tpu.memory_space<vmem>> -> memref<128xi32, #tpu.memory_space<vmem>>
            %dma_start3A_315 = arith.constant 0 : i32
            %dma_start3A_316 = arith.constant 0 : i32
            %dma_start3A_317 = tpu.memref_slice %arg4[%dma_start3A_315, %dma_start3A_316] : memref<1000x128xf32, #tpu.memory_space<hbm>> -> memref<1000x128xf32, #tpu.memory_space<hbm>>
            tpu.enqueue_indirect_dma source(%dma_start3A_317 : memref<1000x128xf32, #tpu.memory_space<hbm>>) target(%dma_start3A_307 : memref<128x128xf32, #tpu.memory_space<vmem>>) offsets(%dma_start3A_314 : memref<128xi32, #tpu.memory_space<vmem>>) semaphore(%run_scoped3A_303 : memref<!tpu.dma_semaphore, #tpu.memory_space<semaphore_mem>>)
            %dma_wait3A = arith.constant 0 : i32
            %dma_wait3A_318 = arith.constant 0 : i32
            %dma_wait3A_319 = tpu.memref_slice %run_scoped3A_27[%rem3A_237, %dma_wait3A, %dma_wait3A_318] : memref<2x128x128xf32, #tpu.memory_space<vmem>> -> memref<1x128x128xf32, #tpu.memory_space<vmem>>
            %dma_wait3A_320 = tpu.memref_squeeze %dma_wait3A_319 : memref<1x128x128xf32, #tpu.memory_space<vmem>> -> memref<128x128xf32, #tpu.memory_space<vmem>>
            %dma_wait3A_321 = arith.constant 0 : i32
            %dma_wait3A_322 = arith.constant 0 : i32
            %dma_wait3A_323 = tpu.memref_slice %run_scoped3A[%rem3A_235, %dma_wait3A_321, %dma_wait3A_322] : memref<2x1x128xi32, #tpu.memory_space<vmem>> -> memref<1x1x128xi32, #tpu.memory_space<vmem>>
            %dma_wait3A_324 = tpu.memref_squeeze %dma_wait3A_323 : memref<1x1x128xi32, #tpu.memory_space<vmem>> -> memref<1x128xi32, #tpu.memory_space<vmem>>
            %dma_wait3A_325 = arith.constant 0 : i32
            %dma_wait3A_326 = tpu.memref_slice %dma_wait3A_324[%run_scoped3A_238, %dma_wait3A_325] : memref<1x128xi32, #tpu.memory_space<vmem>> -> memref<1x128xi32, #tpu.memory_space<vmem>>
            %dma_wait3A_327 = tpu.memref_squeeze %dma_wait3A_326 : memref<1x128xi32, #tpu.memory_space<vmem>> -> memref<128xi32, #tpu.memory_space<vmem>>
            %dma_wait3A_328 = arith.constant 0 : i32
            %dma_wait3A_329 = arith.constant 0 : i32
            %dma_wait3A_330 = tpu.memref_slice %arg4[%dma_wait3A_328, %dma_wait3A_329] : memref<1000x128xf32, #tpu.memory_space<hbm>> -> memref<1000x128xf32, #tpu.memory_space<hbm>>
            tpu.wait_indirect_dma semaphore(%run_scoped3A_303 : memref<!tpu.dma_semaphore, #tpu.memory_space<semaphore_mem>>) src(%dma_wait3A_330 : memref<1000x128xf32, #tpu.memory_space<hbm>>) dst(%dma_wait3A_320 : memref<128x128xf32, #tpu.memory_space<vmem>>)
            tpu.yield
          }) : () -> ()
          "tpu.trace_stop"() : () -> ()
          %ne3A_239 = arith.cmpi ne, %add3A_164, %add3A_182 : i32
          %or3A_240 = arith.constant false
          %or3A_241 = arith.ori %or3A_240, %ne3A_239 : i1
          %or3A_242 = arith.ori %or3A_241, %eq3A_163 : i1
          %convert_element_type3A_243 = arith.extui %or3A_242 : i1 to i32
          %cond3A_244 = arith.constant 0 : i32
          %cond3A_245 = arith.cmpi ne, %convert_element_type3A_243, %cond3A_244 : i32
          scf.if %cond3A_245 {
          } else {
          }
          %and3A_246 = arith.constant false
          %and3A_247 = arith.andi %or3A_242, %and3A_246 : i1
          %ne3A_248 = arith.cmpi ne, %add3A_164, %add3A_182 : i32
          %or3A_249 = arith.constant false
          %or3A_250 = arith.ori %or3A_249, %ne3A_248 : i1
          %or3A_251 = arith.constant false
          %or3A_252 = arith.ori %or3A_250, %or3A_251 : i1
          %or3A_253 = arith.ori %or3A_252, %eq3A_163 : i1
          %convert_element_type3A_254 = arith.extui %or3A_253 : i1 to i32
          %cond3A_255 = arith.constant 0 : i32
          %cond3A_256 = arith.cmpi ne, %convert_element_type3A_254, %cond3A_255 : i32
          scf.if %cond3A_256 {
            "tpu.trace_start"() <{level = 10 : i32, message = "ep_copy_out"}> : () -> ()
            %rem3A_303 = arith.constant 2 : i32
            %rem3A_304 = arith.remui %while3A_154, %rem3A_303 : i32
            %mul3A_305 = arith.constant 128 : i32
            %mul3A_306 = arith.muli %mul3A_305, %add3A_164 : i32
            %dma_start3A_307 = arith.constant 0 : i32
            %dma_start3A_308 = arith.constant 0 : i32
            %dma_start3A_309 = tpu.memref_slice %run_scoped3A_27[%rem3A_304, %dma_start3A_307, %dma_start3A_308] : memref<2x128x128xf32, #tpu.memory_space<vmem>> -> memref<1x128x128xf32, #tpu.memory_space<vmem>>
            %dma_start3A_310 = tpu.memref_squeeze %dma_start3A_309 : memref<1x128x128xf32, #tpu.memory_space<vmem>> -> memref<128x128xf32, #tpu.memory_space<vmem>>
            %dma_start3A_311 = arith.constant 0 : i32
            %dma_start3A_312 = tpu.memref_slice %arg7[%mul3A_306, %dma_start3A_311] : memref<1024x128xf32, #tpu.memory_space<hbm>> -> memref<128x128xf32, #tpu.memory_space<hbm>>
            %dma_start3A_313 = tpu.memref_slice %run_scoped3A_28[%rem3A_304] : memref<2x!tpu.dma_semaphore, #tpu.memory_space<semaphore_mem>> -> memref<1x!tpu.dma_semaphore, #tpu.memory_space<semaphore_mem>>
            %dma_start3A_314 = tpu.memref_squeeze %dma_start3A_313 : memref<1x!tpu.dma_semaphore, #tpu.memory_space<semaphore_mem>> -> memref<!tpu.dma_semaphore, #tpu.memory_space<semaphore_mem>>
            %dma_start3A_315 = arith.constant 0 : i32
            %dma_start3A_316 = tpu.memref_slice %arg7[%mul3A_306, %dma_start3A_315] : memref<1024x128xf32, #tpu.memory_space<hbm>> -> memref<128x128xf32, #tpu.memory_space<hbm>>
            %dma_start3A_317 = arith.constant 0 : i32
            %dma_start3A_318 = arith.constant 0 : i32
            %dma_start3A_319 = tpu.memref_slice %run_scoped3A_27[%rem3A_304, %dma_start3A_317, %dma_start3A_318] : memref<2x128x128xf32, #tpu.memory_space<vmem>> -> memref<1x128x128xf32, #tpu.memory_space<vmem>>
            %dma_start3A_320 = tpu.memref_squeeze %dma_start3A_319 : memref<1x128x128xf32, #tpu.memory_space<vmem>> -> memref<128x128xf32, #tpu.memory_space<vmem>>
            tpu.enqueue_dma source(%dma_start3A_320 : memref<128x128xf32, #tpu.memory_space<vmem>>) target(%dma_start3A_316 : memref<128x128xf32, #tpu.memory_space<hbm>>) target_semaphore(%dma_start3A_314 : memref<!tpu.dma_semaphore, #tpu.memory_space<semaphore_mem>>)
            "tpu.trace_stop"() : () -> ()
          } else {
          }
          %and3A_257 = arith.constant true
          %and3A_258 = arith.andi %or3A_253, %and3A_257 : i1
          %add3A_259 = arith.constant 1 : i32
          %add3A_260 = arith.addi %while3A_154, %add3A_259 : i32
          %select_n3A_261 = arith.select %and3A_258, %add3A_260, %while3A_154 : i32
          %ne3A_262 = arith.cmpi ne, %add3A_164, %add3A_174 : i32
          %or3A_263 = arith.constant false
          %or3A_264 = arith.ori %or3A_263, %ne3A_262 : i1
          %not3A_265 = arith.constant true
          %not3A_266 = arith.xori %eq3A_160, %not3A_265 : i1
          %and3A_267 = arith.andi %or3A_264, %not3A_266 : i1
          %convert_element_type3A_268 = arith.extui %and3A_267 : i1 to i32
          %cond3A_269 = arith.constant 0 : i32
          %cond3A_270 = arith.cmpi ne, %convert_element_type3A_268, %cond3A_269 : i32
          scf.if %cond3A_270 {
          } else {
          }
          %and3A_271 = arith.constant false
          %and3A_272 = arith.andi %and3A_267, %and3A_271 : i1
          %ne3A_273 = arith.cmpi ne, %add3A_164, %add3A_174 : i32
          %or3A_274 = arith.constant false
          %or3A_275 = arith.ori %or3A_274, %ne3A_273 : i1
          %or3A_276 = arith.constant false
          %or3A_277 = arith.ori %or3A_275, %or3A_276 : i1
          %not3A_278 = arith.constant true
          %not3A_279 = arith.xori %eq3A_160, %not3A_278 : i1
          %and3A_280 = arith.andi %or3A_277, %not3A_279 : i1
          %convert_element_type3A_281 = arith.extui %and3A_280 : i1 to i32
          %cond3A_282 = arith.constant 0 : i32
          %cond3A_283 = arith.cmpi ne, %convert_element_type3A_281, %cond3A_282 : i32
          scf.if %cond3A_283 {
            "tpu.trace_start"() <{level = 10 : i32, message = "ep_wait_out"}> : () -> ()
            %rem3A_303 = arith.constant 2 : i32
            %rem3A_304 = arith.remui %while3A_155, %rem3A_303 : i32
            %mul3A_305 = arith.constant 128 : i32
            %mul3A_306 = arith.muli %mul3A_305, %add3A_174 : i32
            %dma_wait3A = arith.constant 0 : i32
            %dma_wait3A_307 = arith.constant 0 : i32
            %dma_wait3A_308 = tpu.memref_slice %run_scoped3A_27[%rem3A_304, %dma_wait3A, %dma_wait3A_307] : memref<2x128x128xf32, #tpu.memory_space<vmem>> -> memref<1x128x128xf32, #tpu.memory_space<vmem>>
            %dma_wait3A_309 = tpu.memref_squeeze %dma_wait3A_308 : memref<1x128x128xf32, #tpu.memory_space<vmem>> -> memref<128x128xf32, #tpu.memory_space<vmem>>
            %dma_wait3A_310 = arith.constant 0 : i32
            %dma_wait3A_311 = tpu.memref_slice %arg7[%mul3A_306, %dma_wait3A_310] : memref<1024x128xf32, #tpu.memory_space<hbm>> -> memref<128x128xf32, #tpu.memory_space<hbm>>
            %dma_wait3A_312 = tpu.memref_slice %run_scoped3A_28[%rem3A_304] : memref<2x!tpu.dma_semaphore, #tpu.memory_space<semaphore_mem>> -> memref<1x!tpu.dma_semaphore, #tpu.memory_space<semaphore_mem>>
            %dma_wait3A_313 = tpu.memref_squeeze %dma_wait3A_312 : memref<1x!tpu.dma_semaphore, #tpu.memory_space<semaphore_mem>> -> memref<!tpu.dma_semaphore, #tpu.memory_space<semaphore_mem>>
            %dma_wait3A_314 = arith.constant 0 : i32
            %dma_wait3A_315 = tpu.memref_slice %arg7[%mul3A_306, %dma_wait3A_314] : memref<1024x128xf32, #tpu.memory_space<hbm>> -> memref<128x128xf32, #tpu.memory_space<hbm>>
            %dma_wait3A_316 = arith.constant 0 : i32
            %dma_wait3A_317 = arith.constant 0 : i32
            %dma_wait3A_318 = tpu.memref_slice %run_scoped3A_27[%rem3A_304, %dma_wait3A_316, %dma_wait3A_317] : memref<2x128x128xf32, #tpu.memory_space<vmem>> -> memref<1x128x128xf32, #tpu.memory_space<vmem>>
            %dma_wait3A_319 = tpu.memref_squeeze %dma_wait3A_318 : memref<1x128x128xf32, #tpu.memory_space<vmem>> -> memref<128x128xf32, #tpu.memory_space<vmem>>
            tpu.wait_dma2 semaphore(%dma_wait3A_313 : memref<!tpu.dma_semaphore, #tpu.memory_space<semaphore_mem>>) src(%dma_wait3A_319 : memref<128x128xf32, #tpu.memory_space<vmem>>) dst(%dma_wait3A_315 : memref<128x128xf32, #tpu.memory_space<hbm>>)
            "tpu.trace_stop"() : () -> ()
          } else {
          }
          %and3A_284 = arith.constant true
          %and3A_285 = arith.andi %and3A_280, %and3A_284 : i1
          %add3A_286 = arith.constant 1 : i32
          %add3A_287 = arith.addi %while3A_155, %add3A_286 : i32
          %select_n3A_288 = arith.select %and3A_285, %add3A_287, %while3A_155 : i32
          %ne3A_289 = arith.cmpi ne, %add3A_164, %add3A_182 : i32
          %or3A_290 = arith.constant false
          %or3A_291 = arith.ori %or3A_290, %ne3A_289 : i1
          %or3A_292 = arith.ori %or3A_291, %eq3A_163 : i1
          %add3A_293 = arith.constant 1 : i32
          %add3A_294 = arith.addi %while3A_153, %add3A_293 : i32
          %select_n3A_295 = arith.select %or3A_292, %add3A_294, %while3A_153 : i32
          %add3A_296 = arith.constant 1 : i32
          %add3A_297 = arith.addi %while3A_156, %add3A_296 : i32
          %select_n3A_298 = arith.constant true
          %select_n3A_299 = arith.select %select_n3A_298, %add3A_297, %while3A_156 : i32
          %eq3A_300 = arith.cmpi eq, %select_n3A_299, %select_n3A : i32
          %select_n3A_301 = arith.constant 0 : i32
          %select_n3A_302 = arith.select %eq3A_300, %select_n3A_301, %select_n3A_299 : i32
          scf.yield %select_n3A_204, %select_n3A_295, %select_n3A_261, %select_n3A_288, %select_n3A_302 : i32, i32, i32, i32, i32
        }
        %while3A_98 = arith.constant 1 : i32
        %while3A_99:5 = scf.for %while3A_151 = %while3A_95 to %while3A_91 step %while3A_98 iter_args(%while3A_152 = %while3A_97#0, %while3A_153 = %while3A_97#1, %while3A_154 = %while3A_97#2, %while3A_155 = %while3A_97#3, %while3A_156 = %while3A_97#4) -> (i32, i32, i32, i32, i32)  : i32 {
          %mul3A_157 = arith.constant 1 : i32
          %mul3A_158 = arith.muli %mul3A_157, %select_n3A : i32
          %eq3A_159 = arith.constant 0 : i32
          %eq3A_160 = arith.cmpi eq, %while3A_151, %eq3A_159 : i32
          %sub3A_161 = arith.constant 1 : i32
          %sub3A_162 = arith.subi %mul3A_158, %sub3A_161 : i32
          %eq3A_163 = arith.cmpi eq, %while3A_151, %sub3A_162 : i32
          %add3A_164 = arith.addi %while3A_156, %select_n3A_23 : i32
          %sub3A_165 = arith.constant 1 : i32
          %sub3A_166 = arith.subi %while3A_156, %sub3A_165 : i32
          %select_n3A_167 = arith.constant true
          %select_n3A_168 = arith.select %select_n3A_167, %sub3A_166, %while3A_156 : i32
          %eq3A_169 = arith.constant -1 : i32
          %eq3A_170 = arith.cmpi eq, %select_n3A_168, %eq3A_169 : i32
          %sub3A_171 = arith.constant 1 : i32
          %sub3A_172 = arith.subi %select_n3A, %sub3A_171 : i32
          %select_n3A_173 = arith.select %eq3A_170, %sub3A_172, %select_n3A_168 : i32
          %add3A_174 = arith.addi %select_n3A_173, %select_n3A_23 : i32
          %add3A_175 = arith.constant 1 : i32
          %add3A_176 = arith.addi %while3A_156, %add3A_175 : i32
          %select_n3A_177 = arith.constant true
          %select_n3A_178 = arith.select %select_n3A_177, %add3A_176, %while3A_156 : i32
          %eq3A_179 = arith.cmpi eq, %select_n3A_178, %select_n3A : i32
          %select_n3A_180 = arith.constant 0 : i32
          %select_n3A_181 = arith.select %eq3A_179, %select_n3A_180, %select_n3A_178 : i32
          %add3A_182 = arith.addi %select_n3A_181, %select_n3A_23 : i32
          %add3A_183 = arith.constant 1 : i32
          %add3A_184 = arith.addi %select_n3A_181, %add3A_183 : i32
          %select_n3A_185 = arith.constant true
          %select_n3A_186 = arith.select %select_n3A_185, %add3A_184, %select_n3A_181 : i32
          %eq3A_187 = arith.cmpi eq, %select_n3A_186, %select_n3A : i32
          %select_n3A_188 = arith.constant 0 : i32
          %select_n3A_189 = arith.select %eq3A_187, %select_n3A_188, %select_n3A_186 : i32
          %add3A_190 = arith.addi %select_n3A_189, %select_n3A_23 : i32
          %ne3A = arith.cmpi ne, %add3A_164, %add3A_182 : i32
          %or3A = arith.constant false
          %or3A_191 = arith.ori %or3A, %ne3A : i1
          %sub3A_192 = arith.constant 2 : i32
          %sub3A_193 = arith.subi %mul3A_158, %sub3A_192 : i32
          %add3A_194 = arith.constant 1 : i32
          %add3A_195 = arith.addi %sub3A_193, %add3A_194 : i32
          %ge3A = arith.cmpi sge, %while3A_151, %add3A_195 : i32
          %not3A = arith.constant true
          %not3A_196 = arith.xori %ge3A, %not3A : i1
          %and3A = arith.andi %or3A_191, %not3A_196 : i1
          %convert_element_type3A_197 = arith.extui %and3A : i1 to i32
          %cond3A_198 = arith.constant 0 : i32
          %cond3A_199 = arith.cmpi ne, %convert_element_type3A_197, %cond3A_198 : i32
          scf.if %cond3A_199 {
            "tpu.trace_start"() <{level = 10 : i32, message = "ep_copy_in"}> : () -> ()
            %rem3A_303 = arith.constant 2 : i32
            %rem3A_304 = arith.remui %while3A_152, %rem3A_303 : i32
            %mul3A_305 = arith.constant 128 : i32
            %mul3A_306 = arith.muli %mul3A_305, %add3A_182 : i32
            %dma_start3A_307 = arith.constant 0 : i32
            %dma_start3A_308 = arith.constant 0 : i32
            %dma_start3A_309 = tpu.memref_slice %run_scoped3A[%rem3A_304, %dma_start3A_307, %dma_start3A_308] : memref<2x1x128xi32, #tpu.memory_space<vmem>> -> memref<1x1x128xi32, #tpu.memory_space<vmem>>
            %dma_start3A_310 = tpu.memref_squeeze %dma_start3A_309 : memref<1x1x128xi32, #tpu.memory_space<vmem>> -> memref<1x128xi32, #tpu.memory_space<vmem>>
            %dma_start3A_311 = arith.constant 0 : i32
            %dma_start3A_312 = tpu.memref_slice %arg5[%dma_start3A_311, %mul3A_306] : memref<1x1024xi32, #tpu.memory_space<hbm>> -> memref<1x128xi32, #tpu.memory_space<hbm>>
            %dma_start3A_313 = tpu.memref_slice %run_scoped3A_26[%rem3A_304] : memref<2x!tpu.dma_semaphore, #tpu.memory_space<semaphore_mem>> -> memref<1x!tpu.dma_semaphore, #tpu.memory_space<semaphore_mem>>
            %dma_start3A_314 = tpu.memref_squeeze %dma_start3A_313 : memref<1x!tpu.dma_semaphore, #tpu.memory_space<semaphore_mem>> -> memref<!tpu.dma_semaphore, #tpu.memory_space<semaphore_mem>>
            %dma_start3A_315 = arith.constant 0 : i32
            %dma_start3A_316 = arith.constant 0 : i32
            %dma_start3A_317 = tpu.memref_slice %run_scoped3A[%rem3A_304, %dma_start3A_315, %dma_start3A_316] : memref<2x1x128xi32, #tpu.memory_space<vmem>> -> memref<1x1x128xi32, #tpu.memory_space<vmem>>
            %dma_start3A_318 = tpu.memref_squeeze %dma_start3A_317 : memref<1x1x128xi32, #tpu.memory_space<vmem>> -> memref<1x128xi32, #tpu.memory_space<vmem>>
            %dma_start3A_319 = arith.constant 0 : i32
            %dma_start3A_320 = tpu.memref_slice %arg5[%dma_start3A_319, %mul3A_306] : memref<1x1024xi32, #tpu.memory_space<hbm>> -> memref<1x128xi32, #tpu.memory_space<hbm>>
            tpu.enqueue_dma source(%dma_start3A_320 : memref<1x128xi32, #tpu.memory_space<hbm>>) target(%dma_start3A_318 : memref<1x128xi32, #tpu.memory_space<vmem>>) target_semaphore(%dma_start3A_314 : memref<!tpu.dma_semaphore, #tpu.memory_space<semaphore_mem>>)
            "tpu.trace_stop"() : () -> ()
          } else {
          }
          %and3A_200 = arith.constant true
          %and3A_201 = arith.andi %and3A, %and3A_200 : i1
          %add3A_202 = arith.constant 1 : i32
          %add3A_203 = arith.addi %while3A_152, %add3A_202 : i32
          %select_n3A_204 = arith.select %and3A_201, %add3A_203, %while3A_152 : i32
          %ne3A_205 = arith.cmpi ne, %add3A_164, %add3A_182 : i32
          %or3A_206 = arith.constant false
          %or3A_207 = arith.ori %or3A_206, %ne3A_205 : i1
          %or3A_208 = arith.constant false
          %or3A_209 = arith.ori %or3A_207, %or3A_208 : i1
          %sub3A_210 = arith.constant 2 : i32
          %sub3A_211 = arith.subi %mul3A_158, %sub3A_210 : i32
          %add3A_212 = arith.constant 1 : i32
          %add3A_213 = arith.addi %sub3A_211, %add3A_212 : i32
          %ge3A_214 = arith.cmpi sge, %while3A_151, %add3A_213 : i32
          %not3A_215 = arith.constant true
          %not3A_216 = arith.xori %ge3A_214, %not3A_215 : i1
          %and3A_217 = arith.andi %or3A_209, %not3A_216 : i1
          %ne3A_218 = arith.cmpi ne, %add3A_164, %add3A_174 : i32
          %or3A_219 = arith.constant false
          %or3A_220 = arith.ori %or3A_219, %ne3A_218 : i1
          %or3A_221 = arith.ori %or3A_220, %eq3A_160 : i1
          %convert_element_type3A_222 = arith.extui %or3A_221 : i1 to i32
          %cond3A_223 = arith.constant 0 : i32
          %cond3A_224 = arith.cmpi ne, %convert_element_type3A_222, %cond3A_223 : i32
          scf.if %cond3A_224 {
            "tpu.trace_start"() <{level = 10 : i32, message = "ep_wait_in"}> : () -> ()
            %mul3A_303 = arith.constant 128 : i32
            %mul3A_304 = arith.muli %mul3A_303, %add3A_164 : i32
            %rem3A_305 = arith.constant 2 : i32
            %rem3A_306 = arith.remui %while3A_153, %rem3A_305 : i32
            %dma_wait3A = arith.constant 0 : i32
            %dma_wait3A_307 = arith.constant 0 : i32
            %dma_wait3A_308 = tpu.memref_slice %run_scoped3A[%rem3A_306, %dma_wait3A, %dma_wait3A_307] : memref<2x1x128xi32, #tpu.memory_space<vmem>> -> memref<1x1x128xi32, #tpu.memory_space<vmem>>
            %dma_wait3A_309 = tpu.memref_squeeze %dma_wait3A_308 : memref<1x1x128xi32, #tpu.memory_space<vmem>> -> memref<1x128xi32, #tpu.memory_space<vmem>>
            %dma_wait3A_310 = arith.constant 0 : i32
            %dma_wait3A_311 = tpu.memref_slice %arg5[%dma_wait3A_310, %mul3A_304] : memref<1x1024xi32, #tpu.memory_space<hbm>> -> memref<1x128xi32, #tpu.memory_space<hbm>>
            %dma_wait3A_312 = tpu.memref_slice %run_scoped3A_26[%rem3A_306] : memref<2x!tpu.dma_semaphore, #tpu.memory_space<semaphore_mem>> -> memref<1x!tpu.dma_semaphore, #tpu.memory_space<semaphore_mem>>
            %dma_wait3A_313 = tpu.memref_squeeze %dma_wait3A_312 : memref<1x!tpu.dma_semaphore, #tpu.memory_space<semaphore_mem>> -> memref<!tpu.dma_semaphore, #tpu.memory_space<semaphore_mem>>
            %dma_wait3A_314 = arith.constant 0 : i32
            %dma_wait3A_315 = arith.constant 0 : i32
            %dma_wait3A_316 = tpu.memref_slice %run_scoped3A[%rem3A_306, %dma_wait3A_314, %dma_wait3A_315] : memref<2x1x128xi32, #tpu.memory_space<vmem>> -> memref<1x1x128xi32, #tpu.memory_space<vmem>>
            %dma_wait3A_317 = tpu.memref_squeeze %dma_wait3A_316 : memref<1x1x128xi32, #tpu.memory_space<vmem>> -> memref<1x128xi32, #tpu.memory_space<vmem>>
            %dma_wait3A_318 = arith.constant 0 : i32
            %dma_wait3A_319 = tpu.memref_slice %arg5[%dma_wait3A_318, %mul3A_304] : memref<1x1024xi32, #tpu.memory_space<hbm>> -> memref<1x128xi32, #tpu.memory_space<hbm>>
            tpu.wait_dma2 semaphore(%dma_wait3A_313 : memref<!tpu.dma_semaphore, #tpu.memory_space<semaphore_mem>>) src(%dma_wait3A_319 : memref<1x128xi32, #tpu.memory_space<hbm>>) dst(%dma_wait3A_317 : memref<1x128xi32, #tpu.memory_space<vmem>>)
            "tpu.trace_stop"() : () -> ()
          } else {
          }
          %ne3A_225 = arith.cmpi ne, %add3A_164, %add3A_174 : i32
          %or3A_226 = arith.constant false
          %or3A_227 = arith.ori %or3A_226, %ne3A_225 : i1
          %or3A_228 = arith.constant false
          %or3A_229 = arith.ori %or3A_227, %or3A_228 : i1
          %or3A_230 = arith.ori %or3A_229, %eq3A_160 : i1
          %convert_element_type3A_231 = arith.extui %or3A_230 : i1 to i32
          %cond3A_232 = arith.constant 0 : i32
          %cond3A_233 = arith.cmpi ne, %convert_element_type3A_231, %cond3A_232 : i32
          scf.if %cond3A_233 {
          } else {
          }
          %rem3A_234 = arith.constant 2 : i32
          %rem3A_235 = arith.remui %while3A_153, %rem3A_234 : i32
          %rem3A_236 = arith.constant 2 : i32
          %rem3A_237 = arith.remui %while3A_154, %rem3A_236 : i32
          %run_scoped3A_238 = arith.constant 0 : i32
          "tpu.trace_start"() <{level = 10 : i32, message = "ep_run_kernel"}> : () -> ()
          "tpu.region"() ({
            %run_scoped3A_303 = tpu.sem_alloc : memref<!tpu.dma_semaphore, #tpu.memory_space<semaphore_mem>>
            %dma_start3A_304 = arith.constant 0 : i32
            %dma_start3A_305 = arith.constant 0 : i32
            %dma_start3A_306 = tpu.memref_slice %run_scoped3A_27[%rem3A_237, %dma_start3A_304, %dma_start3A_305] : memref<2x128x128xf32, #tpu.memory_space<vmem>> -> memref<1x128x128xf32, #tpu.memory_space<vmem>>
            %dma_start3A_307 = tpu.memref_squeeze %dma_start3A_306 : memref<1x128x128xf32, #tpu.memory_space<vmem>> -> memref<128x128xf32, #tpu.memory_space<vmem>>
            %dma_start3A_308 = arith.constant 0 : i32
            %dma_start3A_309 = arith.constant 0 : i32
            %dma_start3A_310 = tpu.memref_slice %run_scoped3A[%rem3A_235, %dma_start3A_308, %dma_start3A_309] : memref<2x1x128xi32, #tpu.memory_space<vmem>> -> memref<1x1x128xi32, #tpu.memory_space<vmem>>
            %dma_start3A_311 = tpu.memref_squeeze %dma_start3A_310 : memref<1x1x128xi32, #tpu.memory_space<vmem>> -> memref<1x128xi32, #tpu.memory_space<vmem>>
            %dma_start3A_312 = arith.constant 0 : i32
            %dma_start3A_313 = tpu.memref_slice %dma_start3A_311[%run_scoped3A_238, %dma_start3A_312] : memref<1x128xi32, #tpu.memory_space<vmem>> -> memref<1x128xi32, #tpu.memory_space<vmem>>
            %dma_start3A_314 = tpu.memref_squeeze %dma_start3A_313 : memref<1x128xi32, #tpu.memory_space<vmem>> -> memref<128xi32, #tpu.memory_space<vmem>>
            %dma_start3A_315 = arith.constant 0 : i32
            %dma_start3A_316 = arith.constant 0 : i32
            %dma_start3A_317 = tpu.memref_slice %arg4[%dma_start3A_315, %dma_start3A_316] : memref<1000x128xf32, #tpu.memory_space<hbm>> -> memref<1000x128xf32, #tpu.memory_space<hbm>>
            tpu.enqueue_indirect_dma source(%dma_start3A_317 : memref<1000x128xf32, #tpu.memory_space<hbm>>) target(%dma_start3A_307 : memref<128x128xf32, #tpu.memory_space<vmem>>) offsets(%dma_start3A_314 : memref<128xi32, #tpu.memory_space<vmem>>) semaphore(%run_scoped3A_303 : memref<!tpu.dma_semaphore, #tpu.memory_space<semaphore_mem>>)
            %dma_wait3A = arith.constant 0 : i32
            %dma_wait3A_318 = arith.constant 0 : i32
            %dma_wait3A_319 = tpu.memref_slice %run_scoped3A_27[%rem3A_237, %dma_wait3A, %dma_wait3A_318] : memref<2x128x128xf32, #tpu.memory_space<vmem>> -> memref<1x128x128xf32, #tpu.memory_space<vmem>>
            %dma_wait3A_320 = tpu.memref_squeeze %dma_wait3A_319 : memref<1x128x128xf32, #tpu.memory_space<vmem>> -> memref<128x128xf32, #tpu.memory_space<vmem>>
            %dma_wait3A_321 = arith.constant 0 : i32
            %dma_wait3A_322 = arith.constant 0 : i32
            %dma_wait3A_323 = tpu.memref_slice %run_scoped3A[%rem3A_235, %dma_wait3A_321, %dma_wait3A_322] : memref<2x1x128xi32, #tpu.memory_space<vmem>> -> memref<1x1x128xi32, #tpu.memory_space<vmem>>
            %dma_wait3A_324 = tpu.memref_squeeze %dma_wait3A_323 : memref<1x1x128xi32, #tpu.memory_space<vmem>> -> memref<1x128xi32, #tpu.memory_space<vmem>>
            %dma_wait3A_325 = arith.constant 0 : i32
            %dma_wait3A_326 = tpu.memref_slice %dma_wait3A_324[%run_scoped3A_238, %dma_wait3A_325] : memref<1x128xi32, #tpu.memory_space<vmem>> -> memref<1x128xi32, #tpu.memory_space<vmem>>
            %dma_wait3A_327 = tpu.memref_squeeze %dma_wait3A_326 : memref<1x128xi32, #tpu.memory_space<vmem>> -> memref<128xi32, #tpu.memory_space<vmem>>
            %dma_wait3A_328 = arith.constant 0 : i32
            %dma_wait3A_329 = arith.constant 0 : i32
            %dma_wait3A_330 = tpu.memref_slice %arg4[%dma_wait3A_328, %dma_wait3A_329] : memref<1000x128xf32, #tpu.memory_space<hbm>> -> memref<1000x128xf32, #tpu.memory_space<hbm>>
            tpu.wait_indirect_dma semaphore(%run_scoped3A_303 : memref<!tpu.dma_semaphore, #tpu.memory_space<semaphore_mem>>) src(%dma_wait3A_330 : memref<1000x128xf32, #tpu.memory_space<hbm>>) dst(%dma_wait3A_320 : memref<128x128xf32, #tpu.memory_space<vmem>>)
            tpu.yield
          }) : () -> ()
          "tpu.trace_stop"() : () -> ()
          %ne3A_239 = arith.cmpi ne, %add3A_164, %add3A_182 : i32
          %or3A_240 = arith.constant false
          %or3A_241 = arith.ori %or3A_240, %ne3A_239 : i1
          %or3A_242 = arith.ori %or3A_241, %eq3A_163 : i1
          %convert_element_type3A_243 = arith.extui %or3A_242 : i1 to i32
          %cond3A_244 = arith.constant 0 : i32
          %cond3A_245 = arith.cmpi ne, %convert_element_type3A_243, %cond3A_244 : i32
          scf.if %cond3A_245 {
          } else {
          }
          %and3A_246 = arith.constant false
          %and3A_247 = arith.andi %or3A_242, %and3A_246 : i1
          %ne3A_248 = arith.cmpi ne, %add3A_164, %add3A_182 : i32
          %or3A_249 = arith.constant false
          %or3A_250 = arith.ori %or3A_249, %ne3A_248 : i1
          %or3A_251 = arith.constant false
          %or3A_252 = arith.ori %or3A_250, %or3A_251 : i1
          %or3A_253 = arith.ori %or3A_252, %eq3A_163 : i1
          %convert_element_type3A_254 = arith.extui %or3A_253 : i1 to i32
          %cond3A_255 = arith.constant 0 : i32
          %cond3A_256 = arith.cmpi ne, %convert_element_type3A_254, %cond3A_255 : i32
          scf.if %cond3A_256 {
            "tpu.trace_start"() <{level = 10 : i32, message = "ep_copy_out"}> : () -> ()
            %rem3A_303 = arith.constant 2 : i32
            %rem3A_304 = arith.remui %while3A_154, %rem3A_303 : i32
            %mul3A_305 = arith.constant 128 : i32
            %mul3A_306 = arith.muli %mul3A_305, %add3A_164 : i32
            %dma_start3A_307 = arith.constant 0 : i32
            %dma_start3A_308 = arith.constant 0 : i32
            %dma_start3A_309 = tpu.memref_slice %run_scoped3A_27[%rem3A_304, %dma_start3A_307, %dma_start3A_308] : memref<2x128x128xf32, #tpu.memory_space<vmem>> -> memref<1x128x128xf32, #tpu.memory_space<vmem>>
            %dma_start3A_310 = tpu.memref_squeeze %dma_start3A_309 : memref<1x128x128xf32, #tpu.memory_space<vmem>> -> memref<128x128xf32, #tpu.memory_space<vmem>>
            %dma_start3A_311 = arith.constant 0 : i32
            %dma_start3A_312 = tpu.memref_slice %arg7[%mul3A_306, %dma_start3A_311] : memref<1024x128xf32, #tpu.memory_space<hbm>> -> memref<128x128xf32, #tpu.memory_space<hbm>>
            %dma_start3A_313 = tpu.memref_slice %run_scoped3A_28[%rem3A_304] : memref<2x!tpu.dma_semaphore, #tpu.memory_space<semaphore_mem>> -> memref<1x!tpu.dma_semaphore, #tpu.memory_space<semaphore_mem>>
            %dma_start3A_314 = tpu.memref_squeeze %dma_start3A_313 : memref<1x!tpu.dma_semaphore, #tpu.memory_space<semaphore_mem>> -> memref<!tpu.dma_semaphore, #tpu.memory_space<semaphore_mem>>
            %dma_start3A_315 = arith.constant 0 : i32
            %dma_start3A_316 = tpu.memref_slice %arg7[%mul3A_306, %dma_start3A_315] : memref<1024x128xf32, #tpu.memory_space<hbm>> -> memref<128x128xf32, #tpu.memory_space<hbm>>
            %dma_start3A_317 = arith.constant 0 : i32
            %dma_start3A_318 = arith.constant 0 : i32
            %dma_start3A_319 = tpu.memref_slice %run_scoped3A_27[%rem3A_304, %dma_start3A_317, %dma_start3A_318] : memref<2x128x128xf32, #tpu.memory_space<vmem>> -> memref<1x128x128xf32, #tpu.memory_space<vmem>>
            %dma_start3A_320 = tpu.memref_squeeze %dma_start3A_319 : memref<1x128x128xf32, #tpu.memory_space<vmem>> -> memref<128x128xf32, #tpu.memory_space<vmem>>
            tpu.enqueue_dma source(%dma_start3A_320 : memref<128x128xf32, #tpu.memory_space<vmem>>) target(%dma_start3A_316 : memref<128x128xf32, #tpu.memory_space<hbm>>) target_semaphore(%dma_start3A_314 : memref<!tpu.dma_semaphore, #tpu.memory_space<semaphore_mem>>)
            "tpu.trace_stop"() : () -> ()
          } else {
          }
          %and3A_257 = arith.constant true
          %and3A_258 = arith.andi %or3A_253, %and3A_257 : i1
          %add3A_259 = arith.constant 1 : i32
          %add3A_260 = arith.addi %while3A_154, %add3A_259 : i32
          %select_n3A_261 = arith.select %and3A_258, %add3A_260, %while3A_154 : i32
          %ne3A_262 = arith.cmpi ne, %add3A_164, %add3A_174 : i32
          %or3A_263 = arith.constant false
          %or3A_264 = arith.ori %or3A_263, %ne3A_262 : i1
          %not3A_265 = arith.constant true
          %not3A_266 = arith.xori %eq3A_160, %not3A_265 : i1
          %and3A_267 = arith.andi %or3A_264, %not3A_266 : i1
          %convert_element_type3A_268 = arith.extui %and3A_267 : i1 to i32
          %cond3A_269 = arith.constant 0 : i32
          %cond3A_270 = arith.cmpi ne, %convert_element_type3A_268, %cond3A_269 : i32
          scf.if %cond3A_270 {
          } else {
          }
          %and3A_271 = arith.constant false
          %and3A_272 = arith.andi %and3A_267, %and3A_271 : i1
          %ne3A_273 = arith.cmpi ne, %add3A_164, %add3A_174 : i32
          %or3A_274 = arith.constant false
          %or3A_275 = arith.ori %or3A_274, %ne3A_273 : i1
          %or3A_276 = arith.constant false
          %or3A_277 = arith.ori %or3A_275, %or3A_276 : i1
          %not3A_278 = arith.constant true
          %not3A_279 = arith.xori %eq3A_160, %not3A_278 : i1
          %and3A_280 = arith.andi %or3A_277, %not3A_279 : i1
          %convert_element_type3A_281 = arith.extui %and3A_280 : i1 to i32
          %cond3A_282 = arith.constant 0 : i32
          %cond3A_283 = arith.cmpi ne, %convert_element_type3A_281, %cond3A_282 : i32
          scf.if %cond3A_283 {
            "tpu.trace_start"() <{level = 10 : i32, message = "ep_wait_out"}> : () -> ()
            %rem3A_303 = arith.constant 2 : i32
            %rem3A_304 = arith.remui %while3A_155, %rem3A_303 : i32
            %mul3A_305 = arith.constant 128 : i32
            %mul3A_306 = arith.muli %mul3A_305, %add3A_174 : i32
            %dma_wait3A = arith.constant 0 : i32
            %dma_wait3A_307 = arith.constant 0 : i32
            %dma_wait3A_308 = tpu.memref_slice %run_scoped3A_27[%rem3A_304, %dma_wait3A, %dma_wait3A_307] : memref<2x128x128xf32, #tpu.memory_space<vmem>> -> memref<1x128x128xf32, #tpu.memory_space<vmem>>
            %dma_wait3A_309 = tpu.memref_squeeze %dma_wait3A_308 : memref<1x128x128xf32, #tpu.memory_space<vmem>> -> memref<128x128xf32, #tpu.memory_space<vmem>>
            %dma_wait3A_310 = arith.constant 0 : i32
            %dma_wait3A_311 = tpu.memref_slice %arg7[%mul3A_306, %dma_wait3A_310] : memref<1024x128xf32, #tpu.memory_space<hbm>> -> memref<128x128xf32, #tpu.memory_space<hbm>>
            %dma_wait3A_312 = tpu.memref_slice %run_scoped3A_28[%rem3A_304] : memref<2x!tpu.dma_semaphore, #tpu.memory_space<semaphore_mem>> -> memref<1x!tpu.dma_semaphore, #tpu.memory_space<semaphore_mem>>
            %dma_wait3A_313 = tpu.memref_squeeze %dma_wait3A_312 : memref<1x!tpu.dma_semaphore, #tpu.memory_space<semaphore_mem>> -> memref<!tpu.dma_semaphore, #tpu.memory_space<semaphore_mem>>
            %dma_wait3A_314 = arith.constant 0 : i32
            %dma_wait3A_315 = tpu.memref_slice %arg7[%mul3A_306, %dma_wait3A_314] : memref<1024x128xf32, #tpu.memory_space<hbm>> -> memref<128x128xf32, #tpu.memory_space<hbm>>
            %dma_wait3A_316 = arith.constant 0 : i32
            %dma_wait3A_317 = arith.constant 0 : i32
            %dma_wait3A_318 = tpu.memref_slice %run_scoped3A_27[%rem3A_304, %dma_wait3A_316, %dma_wait3A_317] : memref<2x128x128xf32, #tpu.memory_space<vmem>> -> memref<1x128x128xf32, #tpu.memory_space<vmem>>
            %dma_wait3A_319 = tpu.memref_squeeze %dma_wait3A_318 : memref<1x128x128xf32, #tpu.memory_space<vmem>> -> memref<128x128xf32, #tpu.memory_space<vmem>>
            tpu.wait_dma2 semaphore(%dma_wait3A_313 : memref<!tpu.dma_semaphore, #tpu.memory_space<semaphore_mem>>) src(%dma_wait3A_319 : memref<128x128xf32, #tpu.memory_space<vmem>>) dst(%dma_wait3A_315 : memref<128x128xf32, #tpu.memory_space<hbm>>)
            "tpu.trace_stop"() : () -> ()
          } else {
          }
          %and3A_284 = arith.constant true
          %and3A_285 = arith.andi %and3A_280, %and3A_284 : i1
          %add3A_286 = arith.constant 1 : i32
          %add3A_287 = arith.addi %while3A_155, %add3A_286 : i32
          %select_n3A_288 = arith.select %and3A_285, %add3A_287, %while3A_155 : i32
          %ne3A_289 = arith.cmpi ne, %add3A_164, %add3A_182 : i32
          %or3A_290 = arith.constant false
          %or3A_291 = arith.ori %or3A_290, %ne3A_289 : i1
          %or3A_292 = arith.ori %or3A_291, %eq3A_163 : i1
          %add3A_293 = arith.constant 1 : i32
          %add3A_294 = arith.addi %while3A_153, %add3A_293 : i32
          %select_n3A_295 = arith.select %or3A_292, %add3A_294, %while3A_153 : i32
          %add3A_296 = arith.constant 1 : i32
          %add3A_297 = arith.addi %while3A_156, %add3A_296 : i32
          %select_n3A_298 = arith.constant true
          %select_n3A_299 = arith.select %select_n3A_298, %add3A_297, %while3A_156 : i32
          %eq3A_300 = arith.cmpi eq, %select_n3A_299, %select_n3A : i32
          %select_n3A_301 = arith.constant 0 : i32
          %select_n3A_302 = arith.select %eq3A_300, %select_n3A_301, %select_n3A_299 : i32
          scf.yield %select_n3A_204, %select_n3A_295, %select_n3A_261, %select_n3A_288, %select_n3A_302 : i32, i32, i32, i32, i32
        }
        %sub3A_100 = arith.constant 1 : i32
        %sub3A_101 = arith.subi %while3A_99#4, %sub3A_100 : i32
        %select_n3A_102 = arith.constant true
        %select_n3A_103 = arith.select %select_n3A_102, %sub3A_101, %while3A_99#4 : i32
        %eq3A_104 = arith.constant -1 : i32
        %eq3A_105 = arith.cmpi eq, %select_n3A_103, %eq3A_104 : i32
        %sub3A_106 = arith.constant 1 : i32
        %sub3A_107 = arith.subi %select_n3A, %sub3A_106 : i32
        %select_n3A_108 = arith.select %eq3A_105, %sub3A_107, %select_n3A_103 : i32
        %sub3A_109 = arith.constant 1 : i32
        %sub3A_110 = arith.subi %mul3A_25, %sub3A_109 : i32
        %mul3A_111 = arith.constant 1 : i32
        %mul3A_112 = arith.muli %mul3A_111, %select_n3A : i32
        %eq3A_113 = arith.constant 0 : i32
        %eq3A_114 = arith.cmpi eq, %sub3A_110, %eq3A_113 : i32
        %sub3A_115 = arith.constant 1 : i32
        %sub3A_116 = arith.subi %mul3A_112, %sub3A_115 : i32
        %eq3A_117 = arith.cmpi eq, %sub3A_110, %sub3A_116 : i32
        %add3A_118 = arith.addi %select_n3A_108, %select_n3A_23 : i32
        %sub3A_119 = arith.constant 1 : i32
        %sub3A_120 = arith.subi %select_n3A_108, %sub3A_119 : i32
        %select_n3A_121 = arith.constant true
        %select_n3A_122 = arith.select %select_n3A_121, %sub3A_120, %select_n3A_108 : i32
        %eq3A_123 = arith.constant -1 : i32
        %eq3A_124 = arith.cmpi eq, %select_n3A_122, %eq3A_123 : i32
        %sub3A_125 = arith.constant 1 : i32
        %sub3A_126 = arith.subi %select_n3A, %sub3A_125 : i32
        %select_n3A_127 = arith.select %eq3A_124, %sub3A_126, %select_n3A_122 : i32
        %add3A_128 = arith.addi %select_n3A_127, %select_n3A_23 : i32
        %add3A_129 = arith.constant 1 : i32
        %add3A_130 = arith.addi %select_n3A_108, %add3A_129 : i32
        %select_n3A_131 = arith.constant true
        %select_n3A_132 = arith.select %select_n3A_131, %add3A_130, %select_n3A_108 : i32
        %eq3A_133 = arith.cmpi eq, %select_n3A_132, %select_n3A : i32
        %select_n3A_134 = arith.constant 0 : i32
        %select_n3A_135 = arith.select %eq3A_133, %select_n3A_134, %select_n3A_132 : i32
        %add3A_136 = arith.addi %select_n3A_135, %select_n3A_23 : i32
        %add3A_137 = arith.constant 1 : i32
        %add3A_138 = arith.addi %select_n3A_135, %add3A_137 : i32
        %select_n3A_139 = arith.constant true
        %select_n3A_140 = arith.select %select_n3A_139, %add3A_138, %select_n3A_135 : i32
        %eq3A_141 = arith.cmpi eq, %select_n3A_140, %select_n3A : i32
        %select_n3A_142 = arith.constant 0 : i32
        %select_n3A_143 = arith.select %eq3A_141, %select_n3A_142, %select_n3A_140 : i32
        %add3A_144 = arith.addi %select_n3A_143, %select_n3A_23 : i32
        %convert_element_type3A_145 = arith.extui %eq3A_117 : i1 to i32
        %cond3A_146 = arith.constant 0 : i32
        %cond3A_147 = arith.cmpi ne, %convert_element_type3A_145, %cond3A_146 : i32
        scf.if %cond3A_147 {
        } else {
        }
        %convert_element_type3A_148 = arith.extui %eq3A_117 : i1 to i32
        %cond3A_149 = arith.constant 0 : i32
        %cond3A_150 = arith.cmpi ne, %convert_element_type3A_148, %cond3A_149 : i32
        scf.if %cond3A_150 {
          "tpu.trace_start"() <{level = 10 : i32, message = "ep_finalize"}> : () -> ()
          %rem3A_151 = arith.constant 2 : i32
          %rem3A_152 = arith.remui %while3A_99#3, %rem3A_151 : i32
          %mul3A_153 = arith.constant 128 : i32
          %mul3A_154 = arith.muli %mul3A_153, %add3A_118 : i32
          %dma_wait3A = arith.constant 0 : i32
          %dma_wait3A_155 = arith.constant 0 : i32
          %dma_wait3A_156 = tpu.memref_slice %run_scoped3A_27[%rem3A_152, %dma_wait3A, %dma_wait3A_155] : memref<2x128x128xf32, #tpu.memory_space<vmem>> -> memref<1x128x128xf32, #tpu.memory_space<vmem>>
          %dma_wait3A_157 = tpu.memref_squeeze %dma_wait3A_156 : memref<1x128x128xf32, #tpu.memory_space<vmem>> -> memref<128x128xf32, #tpu.memory_space<vmem>>
          %dma_wait3A_158 = arith.constant 0 : i32
          %dma_wait3A_159 = tpu.memref_slice %arg7[%mul3A_154, %dma_wait3A_158] : memref<1024x128xf32, #tpu.memory_space<hbm>> -> memref<128x128xf32, #tpu.memory_space<hbm>>
          %dma_wait3A_160 = tpu.memref_slice %run_scoped3A_28[%rem3A_152] : memref<2x!tpu.dma_semaphore, #tpu.memory_space<semaphore_mem>> -> memref<1x!tpu.dma_semaphore, #tpu.memory_space<semaphore_mem>>
          %dma_wait3A_161 = tpu.memref_squeeze %dma_wait3A_160 : memref<1x!tpu.dma_semaphore, #tpu.memory_space<semaphore_mem>> -> memref<!tpu.dma_semaphore, #tpu.memory_space<semaphore_mem>>
          %dma_wait3A_162 = arith.constant 0 : i32
          %dma_wait3A_163 = tpu.memref_slice %arg7[%mul3A_154, %dma_wait3A_162] : memref<1024x128xf32, #tpu.memory_space<hbm>> -> memref<128x128xf32, #tpu.memory_space<hbm>>
          %dma_wait3A_164 = arith.constant 0 : i32
          %dma_wait3A_165 = arith.constant 0 : i32
          %dma_wait3A_166 = tpu.memref_slice %run_scoped3A_27[%rem3A_152, %dma_wait3A_164, %dma_wait3A_165] : memref<2x128x128xf32, #tpu.memory_space<vmem>> -> memref<1x128x128xf32, #tpu.memory_space<vmem>>
          %dma_wait3A_167 = tpu.memref_squeeze %dma_wait3A_166 : memref<1x128x128xf32, #tpu.memory_space<vmem>> -> memref<128x128xf32, #tpu.memory_space<vmem>>
          tpu.wait_dma2 semaphore(%dma_wait3A_161 : memref<!tpu.dma_semaphore, #tpu.memory_space<semaphore_mem>>) src(%dma_wait3A_167 : memref<128x128xf32, #tpu.memory_space<vmem>>) dst(%dma_wait3A_163 : memref<128x128xf32, #tpu.memory_space<hbm>>)
          "tpu.trace_stop"() : () -> ()
        } else {
        }
      } else {
      }
      tpu.yield
    }) : () -> ()
    return
  }
}

module attributes {stable_mosaic.version = 14 : i64} {
  func.func @_proj_body(%arg0: i32, %arg1: memref<512x128xf32, #tpu.memory_space<vmem>>, %arg2: memref<16x128xf32, #tpu.memory_space<vmem>>, %arg3: memref<64x8192xbf16, #tpu.memory_space<vmem>>, %arg4: memref<1x8192xf32, #tpu.memory_space<vmem>>, %arg5: memref<512x8192xf32, #tpu.memory_space<vmem>>) attributes {dimension_semantics = [#tpu.dimension_semantics<arbitrary>], iteration_bounds = array<i64: 64>, scalar_prefetch = 0 : i64, scratch_operands = 0 : i64, tpu.core_type = #tpu.core_type<tc>, window_params = [{transform_indices = @transform_0, window_bounds = array<i64: 512, 128>}, {transform_indices = @transform_1, window_bounds = array<i64: 16, 128>}, {pipeline_mode = #tpu.pipeline_mode<synchronous>, transform_indices = @transform_2, window_bounds = array<i64: 64, 8192>}, {pipeline_mode = #tpu.pipeline_mode<synchronous>, transform_indices = @transform_3, window_bounds = array<i64: 1, 8192>}, {transform_indices = @transform_4, window_bounds = array<i64: 512, 8192>}]} {
    %get3A = arith.constant 0 : index
    %get3A_0 = arith.constant 0 : index
    %get3A_1 = vector.load %arg1[%get3A, %get3A_0] : memref<512x128xf32, #tpu.memory_space<vmem>>, vector<512x128xf32>
    %slice3A = vector.extract_strided_slice %get3A_1 {offsets = [0, 0], sizes = [512, 64], strides = [1, 1]} : vector<512x128xf32> to vector<512x64xf32>
    %reshape3A = vector.shape_cast %slice3A : vector<512x64xf32> to vector<16x32x64xf32>
    %get3A_2 = arith.constant 0 : index
    %get3A_3 = arith.constant 0 : index
    %get3A_4 = vector.load %arg2[%get3A_2, %get3A_3] : memref<16x128xf32, #tpu.memory_space<vmem>>, vector<16x128xf32>
    %slice3A_5 = vector.extract_strided_slice %get3A_4 {offsets = [0, 0], sizes = [16, 64], strides = [1, 1]} : vector<16x128xf32> to vector<16x64xf32>
    %broadcast_in_dim3A = vector.shape_cast %slice3A_5 : vector<16x64xf32> to vector<16x1x64xf32>
    %add3A = vector.broadcast %broadcast_in_dim3A : vector<16x1x64xf32> to vector<16x32x64xf32>
    %add3A_6 = arith.addf %reshape3A, %add3A : vector<16x32x64xf32>
    %reshape3A_7 = vector.shape_cast %add3A_6 : vector<16x32x64xf32> to vector<512x64xf32>
    %convert_element_type3A = arith.truncf %reshape3A_7 : vector<512x64xf32> to vector<512x64xbf16>
    %get3A_8 = arith.constant 0 : index
    %get3A_9 = arith.constant 0 : index
    %get3A_10 = vector.load %arg3[%get3A_8, %get3A_9] : memref<64x8192xbf16, #tpu.memory_space<vmem>>, vector<64x8192xbf16>
    %dot_general3A = arith.constant dense<0.000000e+00> : vector<512x8192xf32>
    %dot_general3A_11 = tpu.matmul %convert_element_type3A, %get3A_10, %dot_general3A {dimension_numbers = #tpu.dot_dimension_numbers<[1], [0], [0], [1], [0, 0, 1, 1], [], []>, transpose_lhs_hint = false} : vector<512x64xbf16>, vector<64x8192xbf16>, vector<512x8192xf32> -> vector<512x8192xf32>
    %get3A_12 = arith.constant 0 : index
    %get3A_13 = arith.constant 0 : index
    %get3A_14 = vector.load %arg4[%get3A_12, %get3A_13] : memref<1x8192xf32, #tpu.memory_space<vmem>>, vector<1x8192xf32>
    %add3A_15 = vector.broadcast %get3A_14 : vector<1x8192xf32> to vector<512x8192xf32>
    %add3A_16 = arith.addf %dot_general3A_11, %add3A_15 : vector<512x8192xf32>
    %swap3A = arith.constant 0 : index
    %swap3A_17 = arith.constant 0 : index
    %swap3A_18 = vector.load %arg5[%swap3A, %swap3A_17] : memref<512x8192xf32, #tpu.memory_space<vmem>>, vector<512x8192xf32>
    tpu.vector_store %arg5[%swap3A, %swap3A_17], %add3A_16 {strides = array<i32>} : memref<512x8192xf32, #tpu.memory_space<vmem>>, vector<512x8192xf32>,
    return
  }
  func.func @transform_0(%arg0: i32) -> (i32, i32) {
    %c0_i32 = arith.constant 0 : i32
    %c0_i32_0 = arith.constant 0 : i32
    return %arg0, %c0_i32 : i32, i32
  }
  func.func @transform_1(%arg0: i32) -> (i32, i32) {
    %c0_i32 = arith.constant 0 : i32
    %c0_i32_0 = arith.constant 0 : i32
    return %arg0, %c0_i32 : i32, i32
  }
  func.func @transform_2(%arg0: i32) -> (i32, i32) {
    %c0_i32 = arith.constant 0 : i32
    %c0_i32_0 = arith.constant 0 : i32
    %c0_i32_1 = arith.constant 0 : i32
    return %c0_i32, %c0_i32_0 : i32, i32
  }
  func.func @transform_3(%arg0: i32) -> (i32, i32) {
    %c0_i32 = arith.constant 0 : i32
    %c0_i32_0 = arith.constant 0 : i32
    %c0_i32_1 = arith.constant 0 : i32
    return %c0_i32, %c0_i32_0 : i32, i32
  }
  func.func @transform_4(%arg0: i32) -> (i32, i32) {
    %c0_i32 = arith.constant 0 : i32
    %c0_i32_0 = arith.constant 0 : i32
    return %arg0, %c0_i32 : i32, i32
  }
}

</mosaic_0001>

<sc_bundles>
// kernel: kernel.4.cloned.1.call-start
scs
__scs_entry_jumppad:
0x0: {  	(pc) =	sbr.rel $0x88, $3  }
0x1: {  	(tag) =	ssettag $0x0;
	lr =	simm.s32 $0x1  }
0x2: {  	[smem:$0x3F9B] =	sst lr;
	_ =	strace $0xD0000000  }
0x3: {  	_ = 	snop  }
0x4: {  	_ = 	snop  }
0x5: {  	_ = 	snop  }
0x6: {  	_ = 	snop  }
0x7: {  	_ = 	snop  }
__scs_overlays_trampoline_lowered:
0x8: {  	[smem:$0x3FAA] =	sst s0  }
0x9: {  	[smem:$0x3FAB] =	sst s1  }
0xa: {  	[smem:$0x3FAC] =	sst s2  }
0xb: {  	[smem:$0x3FAD] =	sst s3  }
0xc: {  	[smem:$0x3FAE] =	sst s4  }
0xd: {  	[smem:$0x3FAF] =	sst s5  }
0xe: {  	[smem:$0x3FB0] =	sst s6  }
0xf: {  	[smem:$0x3FB1] =	sst s7  }
0x10: {  	[smem:$0x3FB2] =	sst s8  }
0x11: {  	[smem:$0x3FB3] =	sst s9;
	s0 =	simm.s32 @!p0 $0x0  }
0x12: {  	s1 =	sld [smem:$0x3F99];
	s0 =	simm.s32 @p0 $0x1  }
0x13: {  	[smem:$0x3FB4] =	sst s0;
	s0 =	simm.s32 @!p1 $0x0  }
0x14: {  	s2 =	sld [smem:$0x3F98];
	s0 =	simm.s32 @p1 $0x1  }
0x15: {  	[smem:$0x3FB5] =	sst s0;
	s0 =	simm.s32 @!p2 $0x0  }
0x16: {  	s3 =	sld [smem:$0x3FDB];
	s0 =	simm.s32 @p2 $0x1  }
0x17: {  	s4 =	simm.s32 $0x1BF5;
	[smem:$0x3FB7] =	sst s0  }
0x18: {  	s0 =	sld [smem:$0x3F9A];
	_ =	swait.ge [sflag:s4], $0x0  }
0x19: {  	s7 =	sld [smem:$0x3F9B]  }
0x1a: {  	s8 =	sadd.s32 $0xFFFFE003, lr  }
0x1b: {  	s9 =	sadd.s32 $0xFFFFFEF7, lr;
	s5 =	simm.s32 $0xFFFFFFFF;
	p2 =	slt.u32 s8, $0xFFFFF086  }
0x1c: {  	p1 =	slt.u32 s9, $0xF7A;
	s5 =	simm.s32 @!p2 $0x0  }
0x1d: {  	s5 =	simm.s32 @p1 $0x1;
	p0 =	seq.s32 s7, s2  }
0x1e: {  	s7 =	smul.u32 @!p0 $0xF7A, s2;
	p2 =	seq.s32 @!p0 s5, $0x0  }
0x1f: {  	s9 =	smul.u32 $0xF7A, s1;
	s8 =	simm.s32 @!p0 $0x1BF5;
	p2 =	por !p2, p0  }
0x20: {  	[sflag:s8] =	ssyncset.s32 @!p0 $0xFFFFF086;
	s6 =	sadd.s32 @!p0 s3, s7;
	s7 =	simm.s32 @!p0 $0x108  }
0x21: {  	s3 =	sadd.s32 s3, s9;
	s6 =	sadd.s32 @!p0 $0x88, s6;
	s7 =	simm.s32 @p2 $0x1082  }
0x22: {  	[simem:s7], [sflag:s8] =	dma.local @!p0 [hbm:s6], $0xF7A  }
0x23: {  	s9 =	sor.u32 $0xD0000000, s2;
	s6 =	simm.s32 $0x108;
	_ =	swait.ge @!p0 [sflag:s8], $0x0  }
0x24: {  	s3 =	sadd.s32 $0x88, s3;
	s6 =	simm.s32 @!p1 $0x1082;
	[sflag:s4] =	ssyncset.s32 $0xFFFFF086  }
0x25: {  	[simem:s6], [sflag:s4] =	dma.local [hbm:s3], $0xF7A  }
0x26: {  	[smem:$0x3F9B] =	sst s1;
	(tag) =	ssettag s2;
	_ =	strace s9  }
0x27: {  	s1 =	sld [smem:$0x3FAB]  }
0x28: {  	s2 =	sld [smem:$0x3FAC]  }
0x29: {  	s4 =	sld [smem:$0x3FAE]  }
0x2a: {  	p0 =	seq.s32 s5, $0x0;
	s5 =	sld [smem:$0x3FAF]  }
0x2b: {  	s6 =	sld [smem:$0x3FB0]  }
0x2c: {  	s7 =	sld [smem:$0x3FB1]  }
0x2d: {  	s3 =	simm.s32 $0x108;
	s8 =	sld [smem:$0x3FB2]  }
0x2e: {  	s3 =	simm.s32 @!p0 $0x1082;
	s9 =	sld [smem:$0x3FB3]  }
0x2f: {  	lr =	sadd.s32 s0, s3;
	s0 =	sld [smem:$0x3FAA]  }
0x30: {  	s3 =	sld [smem:$0x3FAD]  }
0x31: {  	[smem:$0x3FB6] =	sst s10  }
0x32: {  	s10 =	sld [smem:$0x3FB4];
	_ =	sdelay $0x3  }
0x33: {  	p0 =	seq.s32 s10, $0x1;
	s10 =	sld [smem:$0x3FB6];
	_ =	sdelay $0x3  }
0x34: {  	[smem:$0x3FB6] =	sst s10  }
0x35: {  	s10 =	sld [smem:$0x3FB5];
	_ =	sdelay $0x3  }
0x36: {  	p1 =	seq.s32 s10, $0x1;
	s10 =	sld [smem:$0x3FB6];
	_ =	sdelay $0x3  }
0x37: {  	[smem:$0x3FB6] =	sst s10  }
0x38: {  	s10 =	sld [smem:$0x3FB7]  }
0x39: {  	_ = 	snop;
	(pc) =	sbr.ind lr, $3  }
0x3a: {  	_ = 	snop  }
0x3b: {  	_ = 	snop  }
0x3c: {  	p2 =	seq.s32 s10, $0x1;
	s10 =	sld [smem:$0x3FB6]  }
0x3d: {  	_ =	shalt  }
0x3e: {  	_ =	shalt  }
0x3f: {  	_ =	shalt  }
0x40: {  	_ =	shalt  }
0x41: {  	_ =	shalt  }
0x42: {  	_ =	shalt  }
0x43: {  	_ =	shalt  }
0x44: {  	_ =	shalt  }
0x45: {  	_ =	shalt  }
0x46: {  	_ =	shalt  }
0x47: {  	_ =	shalt  }
0x48: {  	_ =	shalt  }
0x49: {  	_ =	shalt  }
0x4a: {  	_ =	shalt  }
0x4b: {  	_ =	shalt  }
0x4c: {  	_ =	shalt  }
0x4d: {  	_ =	shalt  }
0x4e: {  	_ =	shalt  }
0x4f: {  	_ =	shalt  }
0x50: {  	_ =	shalt  }
0x51: {  	_ =	shalt  }
0x52: {  	_ =	shalt  }
0x53: {  	_ =	shalt  }
0x54: {  	_ =	shalt  }
0x55: {  	_ =	shalt  }
0x56: {  	_ =	shalt  }
0x57: {  	_ =	shalt  }
0x58: {  	_ =	shalt  }
0x59: {  	_ =	shalt  }
0x5a: {  	_ =	shalt  }
0x5b: {  	_ =	shalt  }
0x5c: {  	_ =	shalt  }
0x5d: {  	_ =	shalt  }
0x5e: {  	_ =	shalt  }
0x5f: {  	_ =	shalt  }
0x60: {  	_ =	shalt  }
0x61: {  	_ =	shalt  }
0x62: {  	_ =	shalt  }
0x63: {  	_ =	shalt  }
0x64: {  	_ =	shalt  }
0x65: {  	_ =	shalt  }
0x66: {  	_ =	shalt  }
0x67: {  	_ =	shalt  }
0x68: {  	_ =	shalt  }
0x69: {  	_ =	shalt  }
0x6a: {  	_ =	shalt  }
0x6b: {  	_ =	shalt  }
0x6c: {  	_ =	shalt  }
0x6d: {  	_ =	shalt  }
0x6e: {  	_ =	shalt  }
0x6f: {  	_ =	shalt  }
0x70: {  	_ =	shalt  }
0x71: {  	_ =	shalt  }
0x72: {  	_ =	shalt  }
0x73: {  	_ =	shalt  }
0x74: {  	_ =	shalt  }
0x75: {  	_ =	shalt  }
0x76: {  	_ =	shalt  }
0x77: {  	_ =	shalt  }
0x78: {  	_ =	shalt  }
0x79: {  	_ =	shalt  }
0x7a: {  	_ =	shalt  }
0x7b: {  	_ =	shalt  }
0x7c: {  	_ =	shalt  }
0x7d: {  	_ =	shalt  }
0x7e: {  	_ =	shalt  }
0x7f: {  	_ =	shalt  }
0x80: {  	_ =	shalt  }
0x81: {  	_ =	shalt  }
0x82: {  	_ =	shalt  }
0x83: {  	_ =	shalt  }
0x84: {  	_ =	shalt  }
0x85: {  	_ =	shalt  }
0x86: {  	_ =	shalt  }
0x87: {  	_ =	shalt  }
.Lfunc_end0:
.L_simem_size_0:
called_computation_lowered:
.L_overlay_start_0:
0x88: {  	s2 =	sld [smem:$0x3FD9]  }
0x89: {  	s3 =	sld [smem:$0x3FFE];
	_ =	sdelay $0x1  }
0x8a: {  	s1 =	srdreg.scid  }
0x8b: {  	s0 =	sand.u32 $0x1, s1  }
0x8c: {  	s17 =	sshll.u32 s0, $0xA;
	s2 =	sadd.s32 s3, s2  }
0x8d: {  	s2 =	sadd.s32 s2, s17  }
0x8e: {  	[smem:$0x3FC2] =	sst s2  }
0x8f: {  	_ = 	snop  }
0x90: {  	s2 =	sld [smem:$0x3FC8]  }
0x91: {  	s18 =	sld [smem:$0x3FD0];
	(tm) =	ssettm $0x1  }
0x92: {  	s4 =	sld [smem:$0x3FFB];
	_ =	sdelay $0x3  }
0x93: {  	_ =	strace s4  }
0x94: {  	s4 =	sld [smem:$0x3FFC];
	_ =	sdelay $0x3  }
0x95: {  	_ =	strace s4  }
0x96: {  	s4 =	sld [smem:$0x3FFD];
	_ =	sdelay $0x3  }
0x97: {  	_ =	strace s4  }
0x98: {  	_ =	strace $0x8FFFFFFF  }
0x99: {  	s19 =	sld [smem:$0x3FDB];
	_ =	sdelay $0x1  }
0x9a: {  	s5 =	simm.s32 $_scs_section_size  }
0x9b: {  	s6 =	simm.s32 $_size__tile_overlayer_lowered;
	s7 =	simm.s32 $_tile_overlayer_lowered  }
0x9c: {  	s22 =	simm.s32 $0x1BFF;
	s21 =	sshll.u32 s7, $0x1;
	s4 =	sadd.s32 s5, s19  }
0x9d: {  	s8 =	simm.s32 $0x0;
	s20 =	sshll.u32 s6, $0x1;
	s6 =	sadd.s32 s21, s4  }
0x9e: {  	[timem:s8], [sflag:s22] =	dma.local [hbm:s6], s20  }
0x9f: {  	_ =	swait.ge [sflag:s22], s20  }
0xa0: {  	s5 =	ssub.s32 $0x0, s20;
	[sflag:s22] =	ssyncset.done $0x0  }
0xa1: {  	[sflag:s22] =	ssyncadd.s32 s5;
	_ =	sdelay $0x1  }
0xa2: {  	s23 =	simm.s32 $0x1B8B  }
0xa3: {  	_ =	swait.ge [sflag:s23], $0x1  }
0xa4: {  	[sflag:s23] =	ssyncset.done $0x0  }
0xa5: {  	s25 =	simm.s32 $0x1B8E;
	s24 =	sld [smem:$0x3FFE];
	[sflag:s23] =	ssyncadd.s32 $0xFFFFFFFF  }
0xa6: {  	s26 =	simm.s32 $execute0_lowered;
	[smem:$0x3FD2] =	sst s25  }
0xa7: {  	s6 =	sshll.u32 s26, $0x1;
	_ =	strace $0x80000046;
	[dreg:$0x1] =	wrdreg $0xFFFFFFFF  }
0xa8: {  	s28 =	simm.s32 $_size_execute0_lowered;
	s4 =	sadd.s32 s4, s6;
	[dreg:$0x0] =	wrdreg $0x0  }
0xa9: {  	s6 =	sshll.u32 s28, $0x1;
	[dreg:$0x2] =	wrdreg s4  }
0xaa: {  	[dreg:$0x3] =	wrdreg s6  }
0xab: {  	[dreg:$0x4] =	wrdreg $0xC0  }
0xac: {  	_ =	task [dreg:s8], $0x5FFFF  }
0xad: {  	[dreg:$0x1] =	wrdreg $0xFFFFFFFF  }
0xae: {  	[dreg:$0x0] =	wrdreg $0x60  }
0xaf: {  	[dreg:$0x2] =	wrdreg s24  }
0xb0: {  	[dreg:$0x3] =	wrdreg s2  }
0xb1: {  	[dreg:$0x4] =	wrdreg s18  }
0xb2: {  	[dreg:$0x5] =	wrdreg $0x9  }
0xb3: {  	_ =	task.clear_ibuf [dreg:s8], $0x6FFFF;
	_ =	strace $0x90000046  }
0xb4: {  	s29 =	simm.s32 $0x9;
	_ =	strace $0x80000056  }
0xb5: {  	_ =	swait.ge [sflag:s29], $0x1  }
0xb6: {  	[sflag:s29] =	ssyncadd.s32 $0xFFFFFFFF  }
0xb7: {  	_ =	strace $0x90000056  }
0xb8: {  	_ =	sfence  }
0xb9: {  	s30 =	sld [smem:$0x0];
	_ =	sdelay $0x2  }
0xba: {  	s31 =	sshll.u32 s1, $0xD;
	s1 =	sshrl.u32 s1, $0x2  }
0xbb: {  	s3 =	sand.u32 $0x4000, s31;
	s1 =	sadd.s32 s1, s30  }
0xbc: {  	s0 =	sor.u32 s3, s0;
	s1 =	sshll.u32 s1, $0x11  }
0xbd: {  	s0 =	sor.u32 s1, s0  }
0xbe: {  	s0 =	sadd.s32 $0x8F2B, s0  }
0xbf: {  	[sflag:s0] =	ssyncadd.remote.s32 $0x1  }
0xc0: {  	_ =	sfence.sel $0xFFFF  }
0xc1: {  	[dreg:$0x0] =	wrdreg $0xFFFFFFFF;
	(pc) =	sbr.abs _section_cstart, $3  }
0xc2: {  	[dreg:$0x1] =	wrdreg $0xFFFFFFFF  }
0xc3: {  	_ =	task.clear_ibuf [dreg:s8], $0x2FFFF;
	_ =	strace $0x9FFFFFFF  }
0xc4: {  	(tm) =	ssettm $0x7FFFFFFF  }
0xc5: {  	_ =	shalt  }
tec
execute0_lowered:
.L_overlay_start_1:
0x0: {  	(tag) =	ssettag $0x1  }
0x1: {  	s0 =	srdreg.scid  }
0x2: {  	s28 =	rddreg [dreg:$0x0];
	s29 =	sand.u32 $0x1, s0  }
0x3: {  	s20 =	rddreg [dreg:$0x1];
	s1 =	stileid.u32;
	s3 =	sshll.u32 s29, $0x4  }
0x4: {  	s10 =	rddreg [dreg:$0x2];
	s2 =	simm.s32 $0x0;
	s21 =	sor.u32 s1, s3  }
0x5: {  	[smem:$0x7FF] =	sst s2;
	s3 =	sshll.u32 s21, $0x7  }
0x6: {  	s0 =	rddreg [dreg:$0x3];
	_ =	strace $0x80000047;
	s16 =	sadd.s32 s3, s28  }
0x7: {  	_ =	strace $0x80000048;
	s3 =	sadd.s32 $0x1000, s16  }
0x8: {  	[tilespmem:s2], [sflag:$0x1] =	stream.linear.gather [hbm4b:s3+s2], $0x100, $0x200038;
	[tilespmem:$0x10200] =	vst v63  }
0x9: {  	_ =	strace $0x90000048  }
0xa: {  	s5 =	simm.s32 $0x100;
	s4 =	sadd.s32 $0x1020, s16;
	_ =	strace $0x80000049  }
0xb: {  	[tilespmem:s5], [sflag:$0x2] =	stream.linear.gather [hbm4b:s4+s2], $0x100, $0x200038;
	[tilespmem:$0x10200] =	vst v63  }
0xc: {  	_ =	strace $0x90000049  }
0xd: {  	s6 =	simm.s32 $0x1;
	_ =	strace $0x8000004A  }
0xe: {  	_ =	swait.ge [sflag:s6], $0x100  }
0xf: {  	[sflag:s6] =	ssyncset.done $0x0  }
0x10: {  	[sflag:s6] =	ssyncadd.s32 $0xFFFFFF00  }
0x11: {  	s8 =	simm.s32 $0x200;
	_ =	strace $0x9000004A  }
0x12: {  	s9 =	simm.s32 $0x5;
	s7 =	sadd.s32 $0x6000, s28;
	_ =	strace $0x8000004B  }
0x13: {  	[tilespmem:s8], [sflag:$0x5] =	stream.indirect.gather [hbm4b:s7+s5], $0x80, s2, s5, $0x2000b8;
	[tilespmem:$0x10200] =	vst v63  }
0x14: {  	_ =	swait.ge [sflag:s9], $0x8000  }
0x15: {  	[sflag:s9] =	ssyncset.done $0x0  }
0x16: {  	[sflag:s9] =	ssyncadd.s32 $0xFFFF8000  }
0x17: {  	s11 =	sshll.u32 s21, $0xE;
	_ =	strace $0x9000004B  }
0x18: {  	s10 =	sadd.s32 s10, s11;
	_ =	strace $0x8000004C  }
0x19: {  	[hbm4b:s10+s2] =	stream.linear.scatter [tilespmem:s8], [sflag:$0x3], $0x8000, $0x200038;
	[tilespmem:$0x10200] =	vst v63  }
0x1a: {  	_ =	strace $0x9000004C  }
0x1b: {  	s11 =	sadd.s32 $0x1040, s16;
	_ =	strace $0x80000049  }
0x1c: {  	[tilespmem:s2], [sflag:$0x1] =	stream.linear.gather [hbm4b:s11+s2], $0x100, $0x200038;
	[tilespmem:$0x10200] =	vst v63  }
0x1d: {  	_ =	strace $0x90000049  }
0x1e: {  	s12 =	simm.s32 $0x2;
	_ =	strace $0x8000004A  }
0x1f: {  	_ =	swait.ge [sflag:s12], $0x100  }
0x20: {  	[sflag:s12] =	ssyncset.done $0x0  }
0x21: {  	[sflag:s12] =	ssyncadd.s32 $0xFFFFFF00  }
0x22: {  	_ =	strace $0x9000004A  }
0x23: {  	s13 =	simm.s32 $0x8200;
	_ =	strace $0x8000004B  }
0x24: {  	[tilespmem:s13], [sflag:$0x5] =	stream.indirect.gather [hbm4b:s7+s5], $0x80, s5, s5, $0x2000b8;
	[tilespmem:$0x10200] =	vst v63  }
0x25: {  	_ =	swait.ge [sflag:s9], $0x8000  }
0x26: {  	[sflag:s9] =	ssyncset.done $0x0  }
0x27: {  	[sflag:s9] =	ssyncadd.s32 $0xFFFF8000  }
0x28: {  	_ =	strace $0x9000004B  }
0x29: {  	s14 =	sadd.s32 $0x1000, s10;
	_ =	strace $0x8000004C  }
0x2a: {  	[hbm4b:s14+s2] =	stream.linear.scatter [tilespmem:s13], [sflag:$0x4], $0x8000, $0x200038;
	[tilespmem:$0x10200] =	vst v63  }
0x2b: {  	_ =	strace $0x9000004C  }
0x2c: {  	s15 =	simm.s32 $0x3;
	_ =	strace $0x8000004D  }
0x2d: {  	_ =	swait.ge [sflag:s15], $0x8000  }
0x2e: {  	[sflag:s15] =	ssyncset.done $0x0  }
0x2f: {  	[sflag:s15] =	ssyncadd.s32 $0xFFFF8000  }
0x30: {  	_ =	strace $0x9000004D  }
0x31: {  	s16 =	sadd.s32 $0x1060, s16;
	_ =	strace $0x80000049  }
0x32: {  	[tilespmem:s5], [sflag:$0x2] =	stream.linear.gather [hbm4b:s16+s2], $0x100, $0x200038;
	[tilespmem:$0x10200] =	vst v63  }
0x33: {  	_ =	strace $0x90000049  }
0x34: {  	_ =	strace $0x8000004A  }
0x35: {  	_ =	swait.ge [sflag:s6], $0x100  }
0x36: {  	[sflag:s6] =	ssyncset.done $0x0  }
0x37: {  	[sflag:s6] =	ssyncadd.s32 $0xFFFFFF00  }
0x38: {  	_ =	strace $0x9000004A  }
0x39: {  	_ =	strace $0x8000004B  }
0x3a: {  	[tilespmem:s8], [sflag:$0x5] =	stream.indirect.gather [hbm4b:s7+s5], $0x80, s2, s5, $0x2000b8;
	[tilespmem:$0x10200] =	vst v63  }
0x3b: {  	_ =	swait.ge [sflag:s9], $0x8000  }
0x3c: {  	[sflag:s9] =	ssyncset.done $0x0  }
0x3d: {  	[sflag:s9] =	ssyncadd.s32 $0xFFFF8000  }
0x3e: {  	_ =	strace $0x9000004B  }
0x3f: {  	s17 =	sadd.s32 $0x2000, s10;
	_ =	strace $0x8000004C  }
0x40: {  	[hbm4b:s17+s2] =	stream.linear.scatter [tilespmem:s8], [sflag:$0x3], $0x8000, $0x200038;
	[tilespmem:$0x10200] =	vst v63  }
0x41: {  	_ =	strace $0x9000004C  }
0x42: {  	s18 =	simm.s32 $0x4;
	_ =	strace $0x8000004D  }
0x43: {  	_ =	swait.ge [sflag:s18], $0x8000  }
0x44: {  	[sflag:s18] =	ssyncset.done $0x0  }
0x45: {  	[sflag:s18] =	ssyncadd.s32 $0xFFFF8000  }
0x46: {  	_ =	strace $0x9000004D  }
0x47: {  	_ =	strace $0x8000004A  }
0x48: {  	_ =	swait.ge [sflag:s12], $0x100  }
0x49: {  	[sflag:s12] =	ssyncset.done $0x0  }
0x4a: {  	[sflag:s12] =	ssyncadd.s32 $0xFFFFFF00  }
0x4b: {  	_ =	strace $0x9000004A  }
0x4c: {  	_ =	strace $0x8000004B  }
0x4d: {  	[tilespmem:s13], [sflag:$0x5] =	stream.indirect.gather [hbm4b:s7+s5], $0x80, s5, s5, $0x2000b8;
	[tilespmem:$0x10200] =	vst v63  }
0x4e: {  	_ =	swait.ge [sflag:s9], $0x8000  }
0x4f: {  	[sflag:s9] =	ssyncset.done $0x0  }
0x50: {  	[sflag:s9] =	ssyncadd.s32 $0xFFFF8000  }
0x51: {  	_ =	strace $0x9000004B  }
0x52: {  	s19 =	sadd.s32 $0x3000, s10;
	_ =	strace $0x8000004C  }
0x53: {  	[hbm4b:s19+s2] =	stream.linear.scatter [tilespmem:s13], [sflag:$0x4], $0x8000, $0x200038;
	[tilespmem:$0x10200] =	vst v63  }
0x54: {  	_ =	strace $0x9000004C  }
0x55: {  	_ =	strace $0x8000004D  }
0x56: {  	_ =	swait.ge [sflag:s15], $0x8000  }
0x57: {  	[sflag:s15] =	ssyncset.done $0x0  }
0x58: {  	[sflag:s15] =	ssyncadd.s32 $0xFFFF8000  }
0x59: {  	_ =	strace $0x9000004D  }
0x5a: {  	_ =	strace $0x8000004E  }
0x5b: {  	_ =	swait.ge [sflag:s18], $0x8000  }
0x5c: {  	[sflag:s18] =	ssyncset.done $0x0  }
0x5d: {  	s30 =	smin.u32 s21, $0x8;
	[sflag:s18] =	ssyncadd.s32 $0xFFFF8000  }
0x5e: {  	p0 =	sgt.u32 s21, $0x7;
	s22 =	sshll.u32 s30, $0x4;
	_ =	strace $0x9000004E  }
0x5f: {  	s21 =	simm.s32 @!p0 $0x0;
	s20 =	sadd.s32 s20, s22;
	_ =	strace @!p0 $0x8000004F  }
0x60: {  	[tilespmem:s21], [sflag:$0x1] =	stream.linear.gather @!p0 [hbm4b:s20+s21], $0x80, $0x200038;
	[tilespmem:$0x10200] =	vst v63  }
0x61: {  	_ =	strace @!p0 $0x9000004F  }
0x62: {  	s22 =	simm.s32 @!p0 $0x1;
	_ =	strace @!p0 $0x80000051  }
0x63: {  	_ =	swait.ge @!p0 [sflag:s22], $0x80  }
0x64: {  	[sflag:s22] =	ssyncset.done @!p0 $0x0  }
0x65: {  	s23 =	sadd.s32 $0x2000, s28;
	s29 =	ssub.s32 $0x2, s29;
	[sflag:s22] =	ssyncadd.s32 @!p0 $0xFFFFFF80  }
0x66: {  	s24 =	simm.s32 @!p0 $0x80;
	s25 =	simm.s32 @!p0 $0x100;
	_ =	strace @!p0 $0x90000051  }
0x67: {  	s26 =	simm.s32 @!p0 $0x5;
	s30 =	sshll.u32 s30, $0xB;
	_ =	strace @!p0 $0x80000052  }
0x68: {  	[tilespmem:s25], [sflag:$0x5] =	stream.indirect.gather @!p0 [hbm4b:s23+s24], $0x80, s21, s24, $0x2000b8;
	[tilespmem:$0x10200] =	vst v63  }
0x69: {  	s28 =	sadd.s32 s30, s28;
	s30 =	sshrl.u32 s29, $0x1;
	_ =	swait.ge @!p0 [sflag:s26], $0x4000  }
0x6a: {  	s29 =	ssub.s32 s29, s30;
	[sflag:s26] =	ssyncset.done @!p0 $0x0  }
0x6b: {  	s30 =	smax.u32 s29, $0x1;
	[sflag:s26] =	ssyncadd.s32 @!p0 $0xFFFFC000  }
0x6c: {  	s30 =	sadd.s32 $0xFFFFFFFF, s30;
	_ =	strace @!p0 $0x90000052  }
0x6d: {  	s28 =	sadd.s32 $0x26000, s28;
	p1 =	sne.s32 s30, $0x0;
	_ =	strace @!p0 $0x80000053  }
0x6e: {  	[hbm4b:s28+s21] =	stream.linear.scatter @!p0 [tilespmem:s25], [sflag:$0x3], $0x4000, $0x200038;
	[tilespmem:$0x10200] =	vst v63  }
.Ltmp0:
0x6f: {  	_ =	strace @!p0 $0x90000053;
	(pc) =	sbr.rel @!p1 .LBB2_2-.Ltmp0, $4  }
0x70: {  	s29 =	simm.s32 @!p0 $0x3;
	_ =	strace @!p0 $0x80000055  }
0x71: {  	_ =	swait.ge @!p0 [sflag:s29], $0x4000  }
0x72: {  	[sflag:s29] =	ssyncset.done @!p0 $0x0  }
0x73: {  	[sflag:s29] =	ssyncadd.s32 @!p0 $0xFFFFC000  }
.LBB2_1:
0x74: {  	s30 =	sadd.s32 $0xFFFFFFFF, s30;
	_ =	strace @!p0 $0x90000055  }
0x75: {  	_ =	strace $0x80000048;
	p1 =	sne.s32 s30, $0x0  }
0x76: {  	[tilespmem:s2], [sflag:$0x1] =	stream.linear.gather [hbm4b:s3+s2], $0x100, $0x200038;
	[tilespmem:$0x10200] =	vst v63  }
0x77: {  	_ =	strace $0x90000048  }
0x78: {  	_ =	strace $0x80000049  }
0x79: {  	[tilespmem:s5], [sflag:$0x2] =	stream.linear.gather [hbm4b:s4+s2], $0x100, $0x200038;
	[tilespmem:$0x10200] =	vst v63  }
0x7a: {  	_ =	strace $0x90000049  }
0x7b: {  	_ =	strace $0x8000004A  }
0x7c: {  	_ =	swait.ge [sflag:s6], $0x100  }
0x7d: {  	[sflag:s6] =	ssyncset.done $0x0  }
0x7e: {  	[sflag:s6] =	ssyncadd.s32 $0xFFFFFF00  }
0x7f: {  	_ =	strace $0x9000004A  }
0x80: {  	_ =	strace $0x8000004B  }
0x81: {  	[tilespmem:s8], [sflag:$0x5] =	stream.indirect.gather [hbm4b:s7+s5], $0x80, s2, s5, $0x2000b8;
	[tilespmem:$0x10200] =	vst v63  }
0x82: {  	_ =	swait.ge [sflag:s9], $0x8000  }
0x83: {  	[sflag:s9] =	ssyncset.done $0x0  }
0x84: {  	[sflag:s9] =	ssyncadd.s32 $0xFFFF8000  }
0x85: {  	_ =	strace $0x9000004B  }
0x86: {  	_ =	strace $0x8000004C  }
0x87: {  	[hbm4b:s10+s2] =	stream.linear.scatter [tilespmem:s8], [sflag:$0x3], $0x8000, $0x200038;
	[tilespmem:$0x10200] =	vst v63  }
0x88: {  	_ =	strace $0x9000004C  }
0x89: {  	_ =	strace $0x80000049  }
0x8a: {  	[tilespmem:s2], [sflag:$0x1] =	stream.linear.gather [hbm4b:s11+s2], $0x100, $0x200038;
	[tilespmem:$0x10200] =	vst v63  }
0x8b: {  	_ =	strace $0x90000049  }
0x8c: {  	_ =	strace $0x8000004A  }
0x8d: {  	_ =	swait.ge [sflag:s12], $0x100  }
0x8e: {  	[sflag:s12] =	ssyncset.done $0x0  }
0x8f: {  	[sflag:s12] =	ssyncadd.s32 $0xFFFFFF00  }
0x90: {  	_ =	strace $0x9000004A  }
0x91: {  	_ =	strace $0x8000004B  }
0x92: {  	[tilespmem:s13], [sflag:$0x5] =	stream.indirect.gather [hbm4b:s7+s5], $0x80, s5, s5, $0x2000b8;
	[tilespmem:$0x10200] =	vst v63  }
0x93: {  	_ =	swait.ge [sflag:s9], $0x8000  }
0x94: {  	[sflag:s9] =	ssyncset.done $0x0  }
0x95: {  	[sflag:s9] =	ssyncadd.s32 $0xFFFF8000  }
0x96: {  	_ =	strace $0x9000004B  }
0x97: {  	_ =	strace $0x8000004C  }
0x98: {  	[hbm4b:s14+s2] =	stream.linear.scatter [tilespmem:s13], [sflag:$0x4], $0x8000, $0x200038;
	[tilespmem:$0x10200] =	vst v63  }
0x99: {  	_ =	strace $0x9000004C  }
0x9a: {  	_ =	strace $0x8000004D  }
0x9b: {  	_ =	swait.ge [sflag:s15], $0x8000  }
0x9c: {  	[sflag:s15] =	ssyncset.done $0x0  }
0x9d: {  	[sflag:s15] =	ssyncadd.s32 $0xFFFF8000  }
0x9e: {  	_ =	strace $0x9000004D  }
0x9f: {  	_ =	strace $0x80000049  }
0xa0: {  	[tilespmem:s5], [sflag:$0x2] =	stream.linear.gather [hbm4b:s16+s2], $0x100, $0x200038;
	[tilespmem:$0x10200] =	vst v63  }
0xa1: {  	_ =	strace $0x90000049  }
0xa2: {  	_ =	strace $0x8000004A  }
0xa3: {  	_ =	swait.ge [sflag:s6], $0x100  }
0xa4: {  	[sflag:s6] =	ssyncset.done $0x0  }
0xa5: {  	[sflag:s6] =	ssyncadd.s32 $0xFFFFFF00  }
0xa6: {  	_ =	strace $0x9000004A  }
0xa7: {  	_ =	strace $0x8000004B  }
0xa8: {  	[tilespmem:s8], [sflag:$0x5] =	stream.indirect.gather [hbm4b:s7+s5], $0x80, s2, s5, $0x2000b8;
	[tilespmem:$0x10200] =	vst v63  }
0xa9: {  	_ =	swait.ge [sflag:s9], $0x8000  }
0xaa: {  	[sflag:s9] =	ssyncset.done $0x0  }
0xab: {  	[sflag:s9] =	ssyncadd.s32 $0xFFFF8000  }
0xac: {  	_ =	strace $0x9000004B  }
0xad: {  	_ =	strace $0x8000004C  }
0xae: {  	[hbm4b:s17+s2] =	stream.linear.scatter [tilespmem:s8], [sflag:$0x3], $0x8000, $0x200038;
	[tilespmem:$0x10200] =	vst v63  }
0xaf: {  	_ =	strace $0x9000004C  }
0xb0: {  	_ =	strace $0x8000004D  }
0xb1: {  	_ =	swait.ge [sflag:s18], $0x8000  }
0xb2: {  	[sflag:s18] =	ssyncset.done $0x0  }
0xb3: {  	[sflag:s18] =	ssyncadd.s32 $0xFFFF8000  }
0xb4: {  	_ =	strace $0x9000004D  }
0xb5: {  	_ =	strace $0x8000004A  }
0xb6: {  	_ =	swait.ge [sflag:s12], $0x100  }
0xb7: {  	[sflag:s12] =	ssyncset.done $0x0  }
0xb8: {  	[sflag:s12] =	ssyncadd.s32 $0xFFFFFF00  }
0xb9: {  	_ =	strace $0x9000004A  }
0xba: {  	_ =	strace $0x8000004B  }
0xbb: {  	[tilespmem:s13], [sflag:$0x5] =	stream.indirect.gather [hbm4b:s7+s5], $0x80, s5, s5, $0x2000b8;
	[tilespmem:$0x10200] =	vst v63  }
0xbc: {  	_ =	swait.ge [sflag:s9], $0x8000  }
0xbd: {  	[sflag:s9] =	ssyncset.done $0x0  }
0xbe: {  	[sflag:s9] =	ssyncadd.s32 $0xFFFF8000  }
0xbf: {  	_ =	strace $0x9000004B  }
0xc0: {  	_ =	strace $0x8000004C  }
0xc1: {  	[hbm4b:s19+s2] =	stream.linear.scatter [tilespmem:s13], [sflag:$0x4], $0x8000, $0x200038;
	[tilespmem:$0x10200] =	vst v63  }
0xc2: {  	_ =	strace $0x9000004C  }
0xc3: {  	_ =	strace $0x8000004D  }
0xc4: {  	_ =	swait.ge [sflag:s15], $0x8000  }
0xc5: {  	[sflag:s15] =	ssyncset.done $0x0  }
0xc6: {  	[sflag:s15] =	ssyncadd.s32 $0xFFFF8000  }
0xc7: {  	_ =	strace $0x9000004D  }
0xc8: {  	_ =	strace $0x8000004E  }
0xc9: {  	_ =	swait.ge [sflag:s18], $0x8000  }
0xca: {  	[sflag:s18] =	ssyncset.done $0x0  }
0xcb: {  	[sflag:s18] =	ssyncadd.s32 $0xFFFF8000  }
0xcc: {  	_ =	strace $0x9000004E  }
0xcd: {  	_ =	strace @!p0 $0x8000004F  }
0xce: {  	[tilespmem:s21], [sflag:$0x1] =	stream.linear.gather @!p0 [hbm4b:s20+s21], $0x80, $0x200038;
	[tilespmem:$0x10200] =	vst v63  }
0xcf: {  	_ =	strace @!p0 $0x9000004F  }
0xd0: {  	_ =	strace @!p0 $0x80000051  }
0xd1: {  	_ =	swait.ge @!p0 [sflag:s22], $0x80  }
0xd2: {  	[sflag:s22] =	ssyncset.done @!p0 $0x0  }
0xd3: {  	[sflag:s22] =	ssyncadd.s32 @!p0 $0xFFFFFF80  }
0xd4: {  	_ =	strace @!p0 $0x90000051  }
0xd5: {  	_ =	strace @!p0 $0x80000052  }
0xd6: {  	[tilespmem:s25], [sflag:$0x5] =	stream.indirect.gather @!p0 [hbm4b:s23+s24], $0x80, s21, s24, $0x2000b8;
	[tilespmem:$0x10200] =	vst v63  }
0xd7: {  	_ =	swait.ge @!p0 [sflag:s26], $0x4000  }
0xd8: {  	[sflag:s26] =	ssyncset.done @!p0 $0x0  }
0xd9: {  	[sflag:s26] =	ssyncadd.s32 @!p0 $0xFFFFC000  }
0xda: {  	_ =	strace @!p0 $0x90000052  }
0xdb: {  	_ =	strace @!p0 $0x80000053  }
0xdc: {  	[hbm4b:s28+s21] =	stream.linear.scatter @!p0 [tilespmem:s25], [sflag:$0x3], $0x4000, $0x200038;
	[tilespmem:$0x10200] =	vst v63  }
.Ltmp1:
0xdd: {  	_ =	strace @!p0 $0x90000053;
	(pc) =	sbr.rel @p1 .LBB2_1-.Ltmp1, $4  }
0xde: {  	_ =	strace @!p0 $0x80000055  }
0xdf: {  	_ =	swait.ge @!p0 [sflag:s29], $0x4000  }
0xe0: {  	[sflag:s29] =	ssyncset.done @!p0 $0x0  }
0xe1: {  	[sflag:s29] =	ssyncadd.s32 @!p0 $0xFFFFC000  }
.LBB2_2:
0xe2: {  	_ =	strace @!p0 $0x90000055  }
0xe3: {  	_ =	sfence.sel $0x180000  }
0xe4: {  	[bflag:$0x0] =	sbarrier.arrive $0xFFFF  }
0xe5: {  	p0 =	sne.s32 s1, $0x0;
	_ =	strace $0x90000047  }
0xe6: {  	s0 =	sadd.s32 @!p0 $0x100000, s0;
	[bflag:$0x2] =	sbarrier.arrive $0xFFFF  }
0xe7: {  	[sflag:s0] =	ssyncadd.tile.s32 @!p0 $0x1;
	_ =	shalt  }
.Lfunc_end2:
_tile_overlayer_lowered:
.L_overlay_start_2:
0xe8: {  	(tag) =	ssettag $0x2  }
0xe9: {  	s0 =	rddreg [dreg:$0x0];
	s2 =	stileid.u32  }
0xea: {  	s1 =	rddreg [dreg:$0x1];
	p0 =	sne.s32 s2, $0x0  }
0xeb: {  	s3 =	rddreg [dreg:$0x2];
	[bflag:$0x3] =	sbarrier.arrive $0xFFFF;
	s2 =	simm.s32 @!p0 $0x1C01  }
0xec: {  	[timem:s3], [sflag:s2] =	dma.local @!p0 [hbm:s0], s1  }
0xed: {  	s0 =	simm.s32 @!p0 $0x1  }
0xee: {  	_ =	swait.ge @!p0 [sflag:s0], s1  }
0xef: {  	s1 =	ssub.s32 @!p0 $0x0, s1;
	[sflag:s0] =	ssyncset.done @!p0 $0x0  }
0xf0: {  	[sflag:s0] =	ssyncadd.s32 @!p0 s1  }
0xf1: {  	[bflag:$0x3] =	sbarrier.arrive $0xFFFF  }
0xf2: {  	_ =	shalt  }

</sc_bundles>
